<compile_context>
chip_gen: v7x
topology: tpu7x:2x2x1
jax: 0.10.2.dev20260603
libtpu: 0.0.44.dev20260713+nightly
codegen_flags: <defaults>
</compile_context>

<pallas_src>
import functools

import jax
import jax.numpy as jnp
from jax import lax
from jax.experimental import pallas as pl
from jax.experimental.pallas import tpu as pltpu
from jax.experimental.pallas import tpu_sc as plsc

NC = 2
NS = 16
NW = NC * NS
K = 128
NB = 4
NBA = 4
KA = 64
CORE0_FRAC = 1.0
BR = 512
DEGW = 128


def _sc_degree(dst_pad, zerosW, onesW, NP, EPW, CH):
    mesh = plsc.VectorSubcoreMesh(
        core_axis_name="c", subcore_axis_name="s", num_cores=NC, num_subcores=NS)
    rpt = NP // NS
    NG = CH // NB

    @functools.partial(
        pl.kernel,
        out_type=jax.ShapeDtypeStruct((NC, NP, DEGW), jnp.float32),
        mesh=mesh,
        scratch_types=(
            [pltpu.VMEM((K,), jnp.int32) for _ in range(NB)]
            + [pltpu.VMEM((K, DEGW), jnp.float32)]
            + [pltpu.SemaphoreType.DMA for _ in range(2 * NB)]
            + [pltpu.VMEM_SHARED((NP, DEGW), jnp.float32)]
        ),
    )
    def k(dst_hbm, zeros_hbm, ones_hbm, out_hbm, *refs):
        didx = refs[0:NB]
        ones_v = refs[NB]
        isem = refs[NB + 1:2 * NB + 1]
        ssem = refs[2 * NB + 1:3 * NB + 1]
        acc_sh = refs[3 * NB + 1]
        c = lax.axis_index("c")
        s = lax.axis_index("s")
        wid = s * NC + c
        pltpu.sync_copy(zeros_hbm.at[pl.ds(s * rpt, rpt)],
                        acc_sh.at[pl.ds(s * rpt, rpt)])
        pltpu.sync_copy(ones_hbm, ones_v)
        plsc.subcore_barrier()
        e0 = pl.multiple_of(wid * EPW, 8)

        for b in range(NB):
            off = pl.multiple_of(e0 + b * K, 8)
            pltpu.async_copy(dst_hbm.at[pl.ds(off, K)], didx[b], isem[b])

        def group(j, carry):
            for b in range(NB):
                pltpu.make_async_copy(
                    dst_hbm.at[pl.ds(e0, K)], didx[b], isem[b]).wait()
                pltpu.async_copy(ones_v, acc_sh.at[didx[b]], ssem[b], add=True)

                @pl.when(j < NG - 1)
                def _():
                    off = pl.multiple_of(e0 + ((j + 1) * NB + b) * K, 8)
                    pltpu.make_async_copy(
                        ones_v, acc_sh.at[didx[b]], ssem[b]).wait()
                    pltpu.async_copy(dst_hbm.at[pl.ds(off, K)], didx[b], isem[b])
            return carry

        lax.fori_loop(0, NG, group, 0)
        for b in range(NB):
            pltpu.make_async_copy(ones_v, acc_sh.at[didx[b]], ssem[b]).wait()
        plsc.subcore_barrier()
        pltpu.sync_copy(acc_sh.at[pl.ds(s * rpt, rpt)],
                        out_hbm.at[c, pl.ds(s * rpt, rpt)])

    return k(dst_pad, zerosW, onesW)


def _sc_edge_aggregate(g, src_pad, dst_pad, zerosD, NP, D, EPW0, EPW1):
    mesh = plsc.VectorSubcoreMesh(
        core_axis_name="c", subcore_axis_name="s", num_cores=NC, num_subcores=NS)
    rpt = NP // NS
    NG0 = EPW0 // (NBA * KA)
    NG1 = EPW1 // (NBA * KA)

    @functools.partial(
        pl.kernel,
        out_type=jax.ShapeDtypeStruct((NC, NP, D), jnp.float32),
        mesh=mesh,
        scratch_types=(
            [pltpu.VMEM((KA,), jnp.int32) for _ in range(2 * NBA)]
            + [pltpu.VMEM((KA, D), jnp.float32) for _ in range(NBA)]
            + [pltpu.SemaphoreType.DMA for _ in range(4 * NBA)]
            + [pltpu.VMEM_SHARED((NP, D), jnp.float32)]
        ),
    )
    def k(g_hbm, src_hbm, dst_hbm, zeros_hbm, out_hbm, *refs):
        sidx = refs[0:NBA]
        didx = refs[NBA:2 * NBA]
        rows = refs[2 * NBA:3 * NBA]
        sisem = refs[3 * NBA:4 * NBA]
        disem = refs[4 * NBA:5 * NBA]
        gsem = refs[5 * NBA:6 * NBA]
        ssem = refs[6 * NBA:7 * NBA]
        acc_sh = refs[7 * NBA]
        c = lax.axis_index("c")
        s = lax.axis_index("s")
        wid = s * NC + c
        pltpu.sync_copy(zeros_hbm.at[pl.ds(s * rpt, rpt)],
                        acc_sh.at[pl.ds(s * rpt, rpt)])
        plsc.subcore_barrier()
        epw = jnp.where(c == 0, EPW0, EPW1)
        NG = jnp.where(c == 0, NG0, NG1)
        e0 = pl.multiple_of(c * (NS * EPW0) + s * epw, 8)

        for b in range(NBA):
            off = pl.multiple_of(e0 + b * KA, 8)
            pltpu.async_copy(src_hbm.at[pl.ds(off, KA)], sidx[b], sisem[b])
            pltpu.async_copy(dst_hbm.at[pl.ds(off, KA)], didx[b], disem[b])
            pltpu.make_async_copy(
                src_hbm.at[pl.ds(e0, KA)], sidx[b], sisem[b]).wait()
            pltpu.async_copy(g_hbm.at[sidx[b]], rows[b], gsem[b])

        def group(j, carry):
            for b in range(NBA):
                pltpu.make_async_copy(
                    g_hbm.at[sidx[b]], rows[b], gsem[b]).wait()

                @pl.when(j < NG - 1)
                def _():
                    off = pl.multiple_of(e0 + ((j + 1) * NBA + b) * KA, 8)
                    pltpu.async_copy(src_hbm.at[pl.ds(off, KA)], sidx[b],
                                     sisem[b])

                pltpu.make_async_copy(
                    dst_hbm.at[pl.ds(e0, KA)], didx[b], disem[b]).wait()
                pltpu.async_copy(rows[b], acc_sh.at[didx[b]], ssem[b], add=True)

                @pl.when(j < NG - 1)
                def _():
                    off = pl.multiple_of(e0 + ((j + 1) * NBA + b) * KA, 8)
                    pltpu.make_async_copy(
                        rows[b], acc_sh.at[didx[b]], ssem[b]).wait()
                    pltpu.async_copy(dst_hbm.at[pl.ds(off, KA)], didx[b],
                                     disem[b])
                    pltpu.make_async_copy(
                        src_hbm.at[pl.ds(e0, KA)], sidx[b], sisem[b]).wait()
                    pltpu.async_copy(g_hbm.at[sidx[b]], rows[b], gsem[b])
            return carry

        lax.fori_loop(0, NG, group, 0)
        for b in range(NBA):
            pltpu.make_async_copy(rows[b], acc_sh.at[didx[b]], ssem[b]).wait()
        plsc.subcore_barrier()
        pltpu.sync_copy(acc_sh.at[pl.ds(s * rpt, rpt)],
                        out_hbm.at[c, pl.ds(s * rpt, rpt)])

    return k(g, src_pad, dst_pad, zerosD)


def _tc_transform(deg_parts, x_pad, W, N, NP, D):
    grid = (NP // BR,)

    def body(degp_ref, x_ref, w_ref, g_ref, dinv_ref):
        i = pl.program_id(0)
        degsum = degp_ref[0] + degp_ref[1]
        deg = degsum[:, 0:1] + 1.0
        row = lax.broadcasted_iota(jnp.int32, (BR, 1), 0) + i * BR
        dinv = jnp.where(row < N, lax.rsqrt(deg), 0.0)
        h = jnp.dot(x_ref[...], w_ref[...], preferred_element_type=jnp.float32)
        g_ref[...] = h * dinv
        dinv_ref[...] = jnp.broadcast_to(dinv, (BR, 8))

    return pl.pallas_call(
        body,
        grid=grid,
        in_specs=[
            pl.BlockSpec((NC, BR, DEGW), lambda i: (0, i, 0)),
            pl.BlockSpec((BR, D), lambda i: (i, 0)),
            pl.BlockSpec((D, D), lambda i: (0, 0)),
        ],
        out_specs=[
            pl.BlockSpec((BR, D), lambda i: (i, 0)),
            pl.BlockSpec((BR, 8), lambda i: (i, 0)),
        ],
        out_shape=[
            jax.ShapeDtypeStruct((NP, D), jnp.float32),
            jax.ShapeDtypeStruct((NP, 8), jnp.float32),
        ],
    )(deg_parts, x_pad, W)


def _tc_combine(parts, g, dinv8, b2d, NP, D):
    grid = (NP // BR,)

    def body(p_ref, g_ref, dinv_ref, b_ref, o_ref):
        ssum = p_ref[0] + p_ref[1] + g_ref[...]
        o_ref[...] = ssum * dinv_ref[:, 0:1] + b_ref[...]

    return pl.pallas_call(
        body,
        grid=grid,
        in_specs=[
            pl.BlockSpec((NC, BR, D), lambda i: (0, i, 0)),
            pl.BlockSpec((BR, D), lambda i: (i, 0)),
            pl.BlockSpec((BR, 8), lambda i: (i, 0)),
            pl.BlockSpec((1, D), lambda i: (0, 0)),
        ],
        out_specs=pl.BlockSpec((BR, D), lambda i: (i, 0)),
        out_shape=jax.ShapeDtypeStruct((NP, D), jnp.float32),
    )(parts, g, dinv8, b2d)


def kernel(x, edge_index, W, b):
    N, D_in = x.shape
    D = W.shape[1]
    E = edge_index.shape[1]

    NP = ((N + BR - 1) // BR) * BR
    EPWd = ((E + NW * NB * K - 1) // (NW * NB * K)) * (NB * K)
    CHd = EPWd // K
    UNIT = NS * NBA * KA
    units = (E + 2 * UNIT - 1) // (2 * UNIT) * 2
    u0 = max(2, min(units - 2, int(round(units * CORE0_FRAC))))
    EPWa0 = (u0 * UNIT) // NS
    EPWa1 = ((units - u0) * UNIT) // NS

    filler = jnp.full((1,), N, dtype=edge_index.dtype)
    dst_pad = jnp.concatenate(
        [edge_index[1], jnp.broadcast_to(filler, (EPWd * NW - E,))])
    EPa = NS * (EPWa0 + EPWa1)
    src_pada = jnp.concatenate(
        [edge_index[0], jnp.broadcast_to(filler, (EPa - E,))])
    dst_pada = jnp.concatenate(
        [edge_index[1], jnp.broadcast_to(filler, (EPa - E,))])
    x_pad = jnp.pad(x, ((0, NP - N), (0, 0)))

    zerosD = jnp.zeros((NP, D), jnp.float32)
    onesW = jnp.ones((K, DEGW), jnp.float32)

    deg_parts = _sc_degree(dst_pad, zerosD, onesW, NP, EPWd, CHd)
    g, dinv8 = _tc_transform(deg_parts, x_pad, W, N, NP, D)
    parts = _sc_edge_aggregate(g, src_pada, dst_pada, zerosD, NP, D, EPWa0, EPWa1)
    out = _tc_combine(parts, g, dinv8, b.reshape(1, D), NP, D)
    return out[:N]

# --- scband reference (transcript-rebuilt; emitter-appended) ---
"""Pipeline reference for scband-gcn-67937792688163 (READ-ONLY COPY).

The authoritative reference and input builder live on the scoring server;
editing this copy changes nothing except your own understanding.
"""

import jax, jax.numpy as jnp
import numpy as np

N = 10000
E = 320000
D_IN = 128
D_HID = 128


def setup_inputs(seed: int = 0) -> dict:
    key = jax.random.key(seed)
    k1, k2, k3, k4 = jax.random.split(key, 4)
    x = jax.random.normal(k1, (N, D_IN), dtype=jnp.float32)
    edge_index = jax.random.randint(k2, (2, E), 0, N, dtype=jnp.int32)
    # GCNConv linear weight (glorot-ish init) and bias
    scale = (6.0 / (D_IN + D_HID)) ** 0.5
    W = jax.random.uniform(k3, (D_IN, D_HID), dtype=jnp.float32, minval=-scale, maxval=scale)
    b = jnp.zeros((D_HID,), dtype=jnp.float32)
    return {"x": x, "edge_index": edge_index, "W": W, "b": b}


def reference(x, edge_index, W, b):
    # Faithful jax translation of PyG GCNConv (conv1 in the torch module):
    # out = D^{-1/2} (A + I) D^{-1/2} X W + b  with self-loops added.
    num_nodes = x.shape[0]
    loop = jnp.arange(num_nodes, dtype=edge_index.dtype)
    src = jnp.concatenate([edge_index[0], loop])
    dst = jnp.concatenate([edge_index[1], loop])
    # degree computed on destination nodes (PyG convention, flow=source_to_target)
    deg = jnp.zeros((num_nodes,), dtype=jnp.float32).at[dst].add(1.0)
    deg_inv_sqrt = jnp.where(deg > 0, jax.lax.rsqrt(deg), 0.0)
    norm = deg_inv_sqrt[src] * deg_inv_sqrt[dst]
    h = x @ W                      # dense transform
    msg = h[src] * norm[:, None]   # gather + scale per edge
    out = jnp.zeros((num_nodes, W.shape[1]), dtype=jnp.float32).at[dst].add(msg)  # scatter-add
    return out + b

if __name__ == "__main__":
    import jax
    _d = setup_inputs()
    print(jax.jit(kernel)(*tuple(_d.values())))

</pallas_src>

<mosaic_0001>
#map = affine_map<(d0, d1) -> (0)>
#map1 = affine_map<(d0, d1) -> (0, 0)>
#map2 = affine_map<(d0, d1) -> (0, 0, 0)>
module attributes {stable_mosaic.version = 14 : i64} {
  func.func @k(%arg0: i32, %arg1: i32, %arg2: memref<327680xi32, #tpu.memory_space<hbm>>, %arg3: memref<10240x128xf32, #tpu.memory_space<hbm>>, %arg4: memref<128x128xf32, #tpu.memory_space<hbm>>, %arg5: memref<2x10240x128xf32, #tpu.memory_space<hbm>>, %arg6: memref<128xi32, #tpu.memory_space<vmem>>, %arg7: memref<128xi32, #tpu.memory_space<vmem>>, %arg8: memref<128xi32, #tpu.memory_space<vmem>>, %arg9: memref<128xi32, #tpu.memory_space<vmem>>, %arg10: memref<128x128xf32, #tpu.memory_space<vmem>>, %arg11: memref<!tpu.dma_semaphore, #tpu.memory_space<semaphore_mem>>, %arg12: memref<!tpu.dma_semaphore, #tpu.memory_space<semaphore_mem>>, %arg13: memref<!tpu.dma_semaphore, #tpu.memory_space<semaphore_mem>>, %arg14: memref<!tpu.dma_semaphore, #tpu.memory_space<semaphore_mem>>, %arg15: memref<!tpu.dma_semaphore, #tpu.memory_space<semaphore_mem>>, %arg16: memref<!tpu.dma_semaphore, #tpu.memory_space<semaphore_mem>>, %arg17: memref<!tpu.dma_semaphore, #tpu.memory_space<semaphore_mem>>, %arg18: memref<!tpu.dma_semaphore, #tpu.memory_space<semaphore_mem>>, %arg19: memref<10240x128xf32, #tpu.memory_space<vmem_shared>>) attributes {dimension_semantics = [#tpu.dimension_semantics<core_parallel>, #tpu.dimension_semantics<subcore_parallel>], iteration_bounds = array<i64: 2, 16>, scalar_prefetch = 0 : i64, scratch_operands = 14 : i64, tpu.core_type = #tpu.core_type<sc_vector_subcore>, window_params = [{transform_indices = #map}, {transform_indices = #map1}, {transform_indices = #map1}, {transform_indices = #map2}]} {
    %mul3A = arith.constant 2 : i32
    %mul3A_0 = arith.muli %arg1, %mul3A : i32
    %add3A = arith.addi %mul3A_0, %arg0 : i32
    %mul3A_1 = arith.constant 640 : i32
    %mul3A_2 = arith.muli %arg1, %mul3A_1 : i32
    %mul3A_3 = arith.constant 640 : i32
    %mul3A_4 = arith.muli %arg1, %mul3A_3 : i32
    "tpu.region"() ({
      %run_scoped3A = tpu.sem_alloc : memref<!tpu.dma_semaphore, #tpu.memory_space<semaphore_mem>>
      %dma_start3A_47 = arith.constant 0 : i32
      %dma_start3A_48 = tpu.memref_slice %arg19[%mul3A_4, %dma_start3A_47] : memref<10240x128xf32, #tpu.memory_space<vmem_shared>> -> memref<640x128xf32, #tpu.memory_space<vmem_shared>>
      %dma_start3A_49 = arith.constant 0 : i32
      %dma_start3A_50 = tpu.memref_slice %arg3[%mul3A_2, %dma_start3A_49] : memref<10240x128xf32, #tpu.memory_space<hbm>> -> memref<640x128xf32, #tpu.memory_space<hbm>>
      tpu.enqueue_dma source(%dma_start3A_50 : memref<640x128xf32, #tpu.memory_space<hbm>>) target(%dma_start3A_48 : memref<640x128xf32, #tpu.memory_space<vmem_shared>>) target_semaphore(%run_scoped3A : memref<!tpu.dma_semaphore, #tpu.memory_space<semaphore_mem>>)
      %dma_wait3A_51 = arith.constant 0 : i32
      %dma_wait3A_52 = tpu.memref_slice %arg19[%mul3A_4, %dma_wait3A_51] : memref<10240x128xf32, #tpu.memory_space<vmem_shared>> -> memref<640x128xf32, #tpu.memory_space<vmem_shared>>
      %dma_wait3A_53 = arith.constant 0 : i32
      %dma_wait3A_54 = tpu.memref_slice %arg3[%mul3A_2, %dma_wait3A_53] : memref<10240x128xf32, #tpu.memory_space<hbm>> -> memref<640x128xf32, #tpu.memory_space<hbm>>
      tpu.wait_dma2 semaphore(%run_scoped3A : memref<!tpu.dma_semaphore, #tpu.memory_space<semaphore_mem>>) src(%dma_wait3A_54 : memref<640x128xf32, #tpu.memory_space<hbm>>) dst(%dma_wait3A_52 : memref<640x128xf32, #tpu.memory_space<vmem_shared>>)
      tpu.yield
    }) : () -> ()
    "tpu.region"() ({
      %run_scoped3A = tpu.sem_alloc : memref<!tpu.dma_semaphore, #tpu.memory_space<semaphore_mem>>
      tpu.enqueue_dma source(%arg4 : memref<128x128xf32, #tpu.memory_space<hbm>>) target(%arg10 : memref<128x128xf32, #tpu.memory_space<vmem>>) target_semaphore(%run_scoped3A : memref<!tpu.dma_semaphore, #tpu.memory_space<semaphore_mem>>)
      tpu.wait_dma2 semaphore(%run_scoped3A : memref<!tpu.dma_semaphore, #tpu.memory_space<semaphore_mem>>) src(%arg4 : memref<128x128xf32, #tpu.memory_space<hbm>>) dst(%arg10 : memref<128x128xf32, #tpu.memory_space<vmem>>)
      tpu.yield
    }) : () -> ()
    %barrier3A = arith.constant 0 : index
    tpu.barrier barrier_id(%barrier3A)
    %mul3A_5 = arith.constant 10240 : i32
    %mul3A_6 = arith.muli %add3A, %mul3A_5 : i32
    %multiple_of3A = tpu.assume_multiple %mul3A_6, 8 : i32
    %add3A_7 = arith.constant 0 : i32
    %add3A_8 = arith.addi %multiple_of3A, %add3A_7 : i32
    %multiple_of3A_9 = tpu.assume_multiple %add3A_8, 8 : i32
    %dma_start3A = tpu.memref_slice %arg2[%multiple_of3A_9] : memref<327680xi32, #tpu.memory_space<hbm>> -> memref<128xi32, #tpu.memory_space<hbm>>
    %dma_start3A_10 = tpu.memref_slice %arg2[%multiple_of3A_9] : memref<327680xi32, #tpu.memory_space<hbm>> -> memref<128xi32, #tpu.memory_space<hbm>>
    tpu.enqueue_dma source(%dma_start3A_10 : memref<128xi32, #tpu.memory_space<hbm>>) target(%arg6 : memref<128xi32, #tpu.memory_space<vmem>>) target_semaphore(%arg11 : memref<!tpu.dma_semaphore, #tpu.memory_space<semaphore_mem>>)
    %add3A_11 = arith.constant 128 : i32
    %add3A_12 = arith.addi %multiple_of3A, %add3A_11 : i32
    %multiple_of3A_13 = tpu.assume_multiple %add3A_12, 8 : i32
    %dma_start3A_14 = tpu.memref_slice %arg2[%multiple_of3A_13] : memref<327680xi32, #tpu.memory_space<hbm>> -> memref<128xi32, #tpu.memory_space<hbm>>
    %dma_start3A_15 = tpu.memref_slice %arg2[%multiple_of3A_13] : memref<327680xi32, #tpu.memory_space<hbm>> -> memref<128xi32, #tpu.memory_space<hbm>>
    tpu.enqueue_dma source(%dma_start3A_15 : memref<128xi32, #tpu.memory_space<hbm>>) target(%arg7 : memref<128xi32, #tpu.memory_space<vmem>>) target_semaphore(%arg12 : memref<!tpu.dma_semaphore, #tpu.memory_space<semaphore_mem>>)
    %add3A_16 = arith.constant 256 : i32
    %add3A_17 = arith.addi %multiple_of3A, %add3A_16 : i32
    %multiple_of3A_18 = tpu.assume_multiple %add3A_17, 8 : i32
    %dma_start3A_19 = tpu.memref_slice %arg2[%multiple_of3A_18] : memref<327680xi32, #tpu.memory_space<hbm>> -> memref<128xi32, #tpu.memory_space<hbm>>
    %dma_start3A_20 = tpu.memref_slice %arg2[%multiple_of3A_18] : memref<327680xi32, #tpu.memory_space<hbm>> -> memref<128xi32, #tpu.memory_space<hbm>>
    tpu.enqueue_dma source(%dma_start3A_20 : memref<128xi32, #tpu.memory_space<hbm>>) target(%arg8 : memref<128xi32, #tpu.memory_space<vmem>>) target_semaphore(%arg13 : memref<!tpu.dma_semaphore, #tpu.memory_space<semaphore_mem>>)
    %add3A_21 = arith.constant 384 : i32
    %add3A_22 = arith.addi %multiple_of3A, %add3A_21 : i32
    %multiple_of3A_23 = tpu.assume_multiple %add3A_22, 8 : i32
    %dma_start3A_24 = tpu.memref_slice %arg2[%multiple_of3A_23] : memref<327680xi32, #tpu.memory_space<hbm>> -> memref<128xi32, #tpu.memory_space<hbm>>
    %dma_start3A_25 = tpu.memref_slice %arg2[%multiple_of3A_23] : memref<327680xi32, #tpu.memory_space<hbm>> -> memref<128xi32, #tpu.memory_space<hbm>>
    tpu.enqueue_dma source(%dma_start3A_25 : memref<128xi32, #tpu.memory_space<hbm>>) target(%arg9 : memref<128xi32, #tpu.memory_space<vmem>>) target_semaphore(%arg14 : memref<!tpu.dma_semaphore, #tpu.memory_space<semaphore_mem>>)
    %scan3A = arith.constant 0 : i32
    %scan3A_26 = arith.constant 0 : i32
    %scan3A_27 = arith.constant 20 : i32
    %scan3A_28 = arith.addi %scan3A_26, %scan3A_27 : i32
    %scan3A_29 = arith.constant 1 : i32
    scf.for %scan3A_47 = %scan3A_26 to %scan3A_28 step %scan3A_29  : i32 {
      %dma_wait3A_48 = tpu.memref_slice %arg2[%multiple_of3A] : memref<327680xi32, #tpu.memory_space<hbm>> -> memref<128xi32, #tpu.memory_space<hbm>>
      %dma_wait3A_49 = tpu.memref_slice %arg2[%multiple_of3A] : memref<327680xi32, #tpu.memory_space<hbm>> -> memref<128xi32, #tpu.memory_space<hbm>>
      tpu.wait_dma2 semaphore(%arg11 : memref<!tpu.dma_semaphore, #tpu.memory_space<semaphore_mem>>) src(%dma_wait3A_49 : memref<128xi32, #tpu.memory_space<hbm>>) dst(%arg6 : memref<128xi32, #tpu.memory_space<vmem>>)
      %dma_start3A_50 = arith.constant 0 : i32
      %dma_start3A_51 = arith.constant 0 : i32
      %dma_start3A_52 = tpu.memref_slice %arg19[%dma_start3A_50, %dma_start3A_51] : memref<10240x128xf32, #tpu.memory_space<vmem_shared>> -> memref<10240x128xf32, #tpu.memory_space<vmem_shared>>
      tpu.enqueue_indirect_dma source(%arg10 : memref<128x128xf32, #tpu.memory_space<vmem>>) target(%dma_start3A_52 : memref<10240x128xf32, #tpu.memory_space<vmem_shared>>) offsets(%arg6 : memref<128xi32, #tpu.memory_space<vmem>>) semaphore(%arg15 : memref<!tpu.dma_semaphore, #tpu.memory_space<semaphore_mem>>) {add = true}
      %lt3A = arith.constant 19 : i32
      %lt3A_53 = arith.cmpi slt, %scan3A_47, %lt3A : i32
      %convert_element_type3A = arith.extui %lt3A_53 : i1 to i32
      %cond3A = arith.constant 0 : i32
      %cond3A_54 = arith.cmpi ne, %convert_element_type3A, %cond3A : i32
      scf.if %cond3A_54 {
        %add3A_85 = arith.constant 1 : i32
        %add3A_86 = arith.addi %scan3A_47, %add3A_85 : i32
        %mul3A_87 = arith.constant 4 : i32
        %mul3A_88 = arith.muli %add3A_86, %mul3A_87 : i32
        %add3A_89 = arith.constant 0 : i32
        %add3A_90 = arith.addi %mul3A_88, %add3A_89 : i32
        %mul3A_91 = arith.constant 128 : i32
        %mul3A_92 = arith.muli %add3A_90, %mul3A_91 : i32
        %add3A_93 = arith.addi %multiple_of3A, %mul3A_92 : i32
        %multiple_of3A_94 = tpu.assume_multiple %add3A_93, 8 : i32
        %dma_wait3A_95 = arith.constant 0 : i32
        %dma_wait3A_96 = arith.constant 0 : i32
        %dma_wait3A_97 = tpu.memref_slice %arg19[%dma_wait3A_95, %dma_wait3A_96] : memref<10240x128xf32, #tpu.memory_space<vmem_shared>> -> memref<10240x128xf32, #tpu.memory_space<vmem_shared>>
        tpu.wait_indirect_dma semaphore(%arg15 : memref<!tpu.dma_semaphore, #tpu.memory_space<semaphore_mem>>) src(%arg10 : memref<128x128xf32, #tpu.memory_space<vmem>>) dst(%dma_wait3A_97 : memref<10240x128xf32, #tpu.memory_space<vmem_shared>>)
        %dma_start3A_98 = tpu.memref_slice %arg2[%multiple_of3A_94] : memref<327680xi32, #tpu.memory_space<hbm>> -> memref<128xi32, #tpu.memory_space<hbm>>
        %dma_start3A_99 = tpu.memref_slice %arg2[%multiple_of3A_94] : memref<327680xi32, #tpu.memory_space<hbm>> -> memref<128xi32, #tpu.memory_space<hbm>>
        tpu.enqueue_dma source(%dma_start3A_99 : memref<128xi32, #tpu.memory_space<hbm>>) target(%arg6 : memref<128xi32, #tpu.memory_space<vmem>>) target_semaphore(%arg11 : memref<!tpu.dma_semaphore, #tpu.memory_space<semaphore_mem>>)
      } else {
      }
      %dma_wait3A_55 = tpu.memref_slice %arg2[%multiple_of3A] : memref<327680xi32, #tpu.memory_space<hbm>> -> memref<128xi32, #tpu.memory_space<hbm>>
      %dma_wait3A_56 = tpu.memref_slice %arg2[%multiple_of3A] : memref<327680xi32, #tpu.memory_space<hbm>> -> memref<128xi32, #tpu.memory_space<hbm>>
      tpu.wait_dma2 semaphore(%arg12 : memref<!tpu.dma_semaphore, #tpu.memory_space<semaphore_mem>>) src(%dma_wait3A_56 : memref<128xi32, #tpu.memory_space<hbm>>) dst(%arg7 : memref<128xi32, #tpu.memory_space<vmem>>)
      %dma_start3A_57 = arith.constant 0 : i32
      %dma_start3A_58 = arith.constant 0 : i32
      %dma_start3A_59 = tpu.memref_slice %arg19[%dma_start3A_57, %dma_start3A_58] : memref<10240x128xf32, #tpu.memory_space<vmem_shared>> -> memref<10240x128xf32, #tpu.memory_space<vmem_shared>>
      tpu.enqueue_indirect_dma source(%arg10 : memref<128x128xf32, #tpu.memory_space<vmem>>) target(%dma_start3A_59 : memref<10240x128xf32, #tpu.memory_space<vmem_shared>>) offsets(%arg7 : memref<128xi32, #tpu.memory_space<vmem>>) semaphore(%arg16 : memref<!tpu.dma_semaphore, #tpu.memory_space<semaphore_mem>>) {add = true}
      %lt3A_60 = arith.constant 19 : i32
      %lt3A_61 = arith.cmpi slt, %scan3A_47, %lt3A_60 : i32
      %convert_element_type3A_62 = arith.extui %lt3A_61 : i1 to i32
      %cond3A_63 = arith.constant 0 : i32
      %cond3A_64 = arith.cmpi ne, %convert_element_type3A_62, %cond3A_63 : i32
      scf.if %cond3A_64 {
        %add3A_85 = arith.constant 1 : i32
        %add3A_86 = arith.addi %scan3A_47, %add3A_85 : i32
        %mul3A_87 = arith.constant 4 : i32
        %mul3A_88 = arith.muli %add3A_86, %mul3A_87 : i32
        %add3A_89 = arith.constant 1 : i32
        %add3A_90 = arith.addi %mul3A_88, %add3A_89 : i32
        %mul3A_91 = arith.constant 128 : i32
        %mul3A_92 = arith.muli %add3A_90, %mul3A_91 : i32
        %add3A_93 = arith.addi %multiple_of3A, %mul3A_92 : i32
        %multiple_of3A_94 = tpu.assume_multiple %add3A_93, 8 : i32
        %dma_wait3A_95 = arith.constant 0 : i32
        %dma_wait3A_96 = arith.constant 0 : i32
        %dma_wait3A_97 = tpu.memref_slice %arg19[%dma_wait3A_95, %dma_wait3A_96] : memref<10240x128xf32, #tpu.memory_space<vmem_shared>> -> memref<10240x128xf32, #tpu.memory_space<vmem_shared>>
        tpu.wait_indirect_dma semaphore(%arg16 : memref<!tpu.dma_semaphore, #tpu.memory_space<semaphore_mem>>) src(%arg10 : memref<128x128xf32, #tpu.memory_space<vmem>>) dst(%dma_wait3A_97 : memref<10240x128xf32, #tpu.memory_space<vmem_shared>>)
        %dma_start3A_98 = tpu.memref_slice %arg2[%multiple_of3A_94] : memref<327680xi32, #tpu.memory_space<hbm>> -> memref<128xi32, #tpu.memory_space<hbm>>
        %dma_start3A_99 = tpu.memref_slice %arg2[%multiple_of3A_94] : memref<327680xi32, #tpu.memory_space<hbm>> -> memref<128xi32, #tpu.memory_space<hbm>>
        tpu.enqueue_dma source(%dma_start3A_99 : memref<128xi32, #tpu.memory_space<hbm>>) target(%arg7 : memref<128xi32, #tpu.memory_space<vmem>>) target_semaphore(%arg12 : memref<!tpu.dma_semaphore, #tpu.memory_space<semaphore_mem>>)
      } else {
      }
      %dma_wait3A_65 = tpu.memref_slice %arg2[%multiple_of3A] : memref<327680xi32, #tpu.memory_space<hbm>> -> memref<128xi32, #tpu.memory_space<hbm>>
      %dma_wait3A_66 = tpu.memref_slice %arg2[%multiple_of3A] : memref<327680xi32, #tpu.memory_space<hbm>> -> memref<128xi32, #tpu.memory_space<hbm>>
      tpu.wait_dma2 semaphore(%arg13 : memref<!tpu.dma_semaphore, #tpu.memory_space<semaphore_mem>>) src(%dma_wait3A_66 : memref<128xi32, #tpu.memory_space<hbm>>) dst(%arg8 : memref<128xi32, #tpu.memory_space<vmem>>)
      %dma_start3A_67 = arith.constant 0 : i32
      %dma_start3A_68 = arith.constant 0 : i32
      %dma_start3A_69 = tpu.memref_slice %arg19[%dma_start3A_67, %dma_start3A_68] : memref<10240x128xf32, #tpu.memory_space<vmem_shared>> -> memref<10240x128xf32, #tpu.memory_space<vmem_shared>>
      tpu.enqueue_indirect_dma source(%arg10 : memref<128x128xf32, #tpu.memory_space<vmem>>) target(%dma_start3A_69 : memref<10240x128xf32, #tpu.memory_space<vmem_shared>>) offsets(%arg8 : memref<128xi32, #tpu.memory_space<vmem>>) semaphore(%arg17 : memref<!tpu.dma_semaphore, #tpu.memory_space<semaphore_mem>>) {add = true}
      %lt3A_70 = arith.constant 19 : i32
      %lt3A_71 = arith.cmpi slt, %scan3A_47, %lt3A_70 : i32
      %convert_element_type3A_72 = arith.extui %lt3A_71 : i1 to i32
      %cond3A_73 = arith.constant 0 : i32
      %cond3A_74 = arith.cmpi ne, %convert_element_type3A_72, %cond3A_73 : i32
      scf.if %cond3A_74 {
        %add3A_85 = arith.constant 1 : i32
        %add3A_86 = arith.addi %scan3A_47, %add3A_85 : i32
        %mul3A_87 = arith.constant 4 : i32
        %mul3A_88 = arith.muli %add3A_86, %mul3A_87 : i32
        %add3A_89 = arith.constant 2 : i32
        %add3A_90 = arith.addi %mul3A_88, %add3A_89 : i32
        %mul3A_91 = arith.constant 128 : i32
        %mul3A_92 = arith.muli %add3A_90, %mul3A_91 : i32
        %add3A_93 = arith.addi %multiple_of3A, %mul3A_92 : i32
        %multiple_of3A_94 = tpu.assume_multiple %add3A_93, 8 : i32
        %dma_wait3A_95 = arith.constant 0 : i32
        %dma_wait3A_96 = arith.constant 0 : i32
        %dma_wait3A_97 = tpu.memref_slice %arg19[%dma_wait3A_95, %dma_wait3A_96] : memref<10240x128xf32, #tpu.memory_space<vmem_shared>> -> memref<10240x128xf32, #tpu.memory_space<vmem_shared>>
        tpu.wait_indirect_dma semaphore(%arg17 : memref<!tpu.dma_semaphore, #tpu.memory_space<semaphore_mem>>) src(%arg10 : memref<128x128xf32, #tpu.memory_space<vmem>>) dst(%dma_wait3A_97 : memref<10240x128xf32, #tpu.memory_space<vmem_shared>>)
        %dma_start3A_98 = tpu.memref_slice %arg2[%multiple_of3A_94] : memref<327680xi32, #tpu.memory_space<hbm>> -> memref<128xi32, #tpu.memory_space<hbm>>
        %dma_start3A_99 = tpu.memref_slice %arg2[%multiple_of3A_94] : memref<327680xi32, #tpu.memory_space<hbm>> -> memref<128xi32, #tpu.memory_space<hbm>>
        tpu.enqueue_dma source(%dma_start3A_99 : memref<128xi32, #tpu.memory_space<hbm>>) target(%arg8 : memref<128xi32, #tpu.memory_space<vmem>>) target_semaphore(%arg13 : memref<!tpu.dma_semaphore, #tpu.memory_space<semaphore_mem>>)
      } else {
      }
      %dma_wait3A_75 = tpu.memref_slice %arg2[%multiple_of3A] : memref<327680xi32, #tpu.memory_space<hbm>> -> memref<128xi32, #tpu.memory_space<hbm>>
      %dma_wait3A_76 = tpu.memref_slice %arg2[%multiple_of3A] : memref<327680xi32, #tpu.memory_space<hbm>> -> memref<128xi32, #tpu.memory_space<hbm>>
      tpu.wait_dma2 semaphore(%arg14 : memref<!tpu.dma_semaphore, #tpu.memory_space<semaphore_mem>>) src(%dma_wait3A_76 : memref<128xi32, #tpu.memory_space<hbm>>) dst(%arg9 : memref<128xi32, #tpu.memory_space<vmem>>)
      %dma_start3A_77 = arith.constant 0 : i32
      %dma_start3A_78 = arith.constant 0 : i32
      %dma_start3A_79 = tpu.memref_slice %arg19[%dma_start3A_77, %dma_start3A_78] : memref<10240x128xf32, #tpu.memory_space<vmem_shared>> -> memref<10240x128xf32, #tpu.memory_space<vmem_shared>>
      tpu.enqueue_indirect_dma source(%arg10 : memref<128x128xf32, #tpu.memory_space<vmem>>) target(%dma_start3A_79 : memref<10240x128xf32, #tpu.memory_space<vmem_shared>>) offsets(%arg9 : memref<128xi32, #tpu.memory_space<vmem>>) semaphore(%arg18 : memref<!tpu.dma_semaphore, #tpu.memory_space<semaphore_mem>>) {add = true}
      %lt3A_80 = arith.constant 19 : i32
      %lt3A_81 = arith.cmpi slt, %scan3A_47, %lt3A_80 : i32
      %convert_element_type3A_82 = arith.extui %lt3A_81 : i1 to i32
      %cond3A_83 = arith.constant 0 : i32
      %cond3A_84 = arith.cmpi ne, %convert_element_type3A_82, %cond3A_83 : i32
      scf.if %cond3A_84 {
        %add3A_85 = arith.constant 1 : i32
        %add3A_86 = arith.addi %scan3A_47, %add3A_85 : i32
        %mul3A_87 = arith.constant 4 : i32
        %mul3A_88 = arith.muli %add3A_86, %mul3A_87 : i32
        %add3A_89 = arith.constant 3 : i32
        %add3A_90 = arith.addi %mul3A_88, %add3A_89 : i32
        %mul3A_91 = arith.constant 128 : i32
        %mul3A_92 = arith.muli %add3A_90, %mul3A_91 : i32
        %add3A_93 = arith.addi %multiple_of3A, %mul3A_92 : i32
        %multiple_of3A_94 = tpu.assume_multiple %add3A_93, 8 : i32
        %dma_wait3A_95 = arith.constant 0 : i32
        %dma_wait3A_96 = arith.constant 0 : i32
        %dma_wait3A_97 = tpu.memref_slice %arg19[%dma_wait3A_95, %dma_wait3A_96] : memref<10240x128xf32, #tpu.memory_space<vmem_shared>> -> memref<10240x128xf32, #tpu.memory_space<vmem_shared>>
        tpu.wait_indirect_dma semaphore(%arg18 : memref<!tpu.dma_semaphore, #tpu.memory_space<semaphore_mem>>) src(%arg10 : memref<128x128xf32, #tpu.memory_space<vmem>>) dst(%dma_wait3A_97 : memref<10240x128xf32, #tpu.memory_space<vmem_shared>>)
        %dma_start3A_98 = tpu.memref_slice %arg2[%multiple_of3A_94] : memref<327680xi32, #tpu.memory_space<hbm>> -> memref<128xi32, #tpu.memory_space<hbm>>
        %dma_start3A_99 = tpu.memref_slice %arg2[%multiple_of3A_94] : memref<327680xi32, #tpu.memory_space<hbm>> -> memref<128xi32, #tpu.memory_space<hbm>>
        tpu.enqueue_dma source(%dma_start3A_99 : memref<128xi32, #tpu.memory_space<hbm>>) target(%arg9 : memref<128xi32, #tpu.memory_space<vmem>>) target_semaphore(%arg14 : memref<!tpu.dma_semaphore, #tpu.memory_space<semaphore_mem>>)
      } else {
      }
    }
    %scan3A_30 = arith.constant 20 : i32
    %dma_wait3A = arith.constant 0 : i32
    %dma_wait3A_31 = arith.constant 0 : i32
    %dma_wait3A_32 = tpu.memref_slice %arg19[%dma_wait3A, %dma_wait3A_31] : memref<10240x128xf32, #tpu.memory_space<vmem_shared>> -> memref<10240x128xf32, #tpu.memory_space<vmem_shared>>
    tpu.wait_indirect_dma semaphore(%arg15 : memref<!tpu.dma_semaphore, #tpu.memory_space<semaphore_mem>>) src(%arg10 : memref<128x128xf32, #tpu.memory_space<vmem>>) dst(%dma_wait3A_32 : memref<10240x128xf32, #tpu.memory_space<vmem_shared>>)
    %dma_wait3A_33 = arith.constant 0 : i32
    %dma_wait3A_34 = arith.constant 0 : i32
    %dma_wait3A_35 = tpu.memref_slice %arg19[%dma_wait3A_33, %dma_wait3A_34] : memref<10240x128xf32, #tpu.memory_space<vmem_shared>> -> memref<10240x128xf32, #tpu.memory_space<vmem_shared>>
    tpu.wait_indirect_dma semaphore(%arg16 : memref<!tpu.dma_semaphore, #tpu.memory_space<semaphore_mem>>) src(%arg10 : memref<128x128xf32, #tpu.memory_space<vmem>>) dst(%dma_wait3A_35 : memref<10240x128xf32, #tpu.memory_space<vmem_shared>>)
    %dma_wait3A_36 = arith.constant 0 : i32
    %dma_wait3A_37 = arith.constant 0 : i32
    %dma_wait3A_38 = tpu.memref_slice %arg19[%dma_wait3A_36, %dma_wait3A_37] : memref<10240x128xf32, #tpu.memory_space<vmem_shared>> -> memref<10240x128xf32, #tpu.memory_space<vmem_shared>>
    tpu.wait_indirect_dma semaphore(%arg17 : memref<!tpu.dma_semaphore, #tpu.memory_space<semaphore_mem>>) src(%arg10 : memref<128x128xf32, #tpu.memory_space<vmem>>) dst(%dma_wait3A_38 : memref<10240x128xf32, #tpu.memory_space<vmem_shared>>)
    %dma_wait3A_39 = arith.constant 0 : i32
    %dma_wait3A_40 = arith.constant 0 : i32
    %dma_wait3A_41 = tpu.memref_slice %arg19[%dma_wait3A_39, %dma_wait3A_40] : memref<10240x128xf32, #tpu.memory_space<vmem_shared>> -> memref<10240x128xf32, #tpu.memory_space<vmem_shared>>
    tpu.wait_indirect_dma semaphore(%arg18 : memref<!tpu.dma_semaphore, #tpu.memory_space<semaphore_mem>>) src(%arg10 : memref<128x128xf32, #tpu.memory_space<vmem>>) dst(%dma_wait3A_41 : memref<10240x128xf32, #tpu.memory_space<vmem_shared>>)
    %barrier3A_42 = arith.constant 0 : index
    tpu.barrier barrier_id(%barrier3A_42)
    %mul3A_43 = arith.constant 640 : i32
    %mul3A_44 = arith.muli %arg1, %mul3A_43 : i32
    %mul3A_45 = arith.constant 640 : i32
    %mul3A_46 = arith.muli %arg1, %mul3A_45 : i32
    "tpu.region"() ({
      %run_scoped3A = tpu.sem_alloc : memref<!tpu.dma_semaphore, #tpu.memory_space<semaphore_mem>>
      %dma_start3A_47 = arith.constant 0 : i32
      %dma_start3A_48 = tpu.memref_slice %arg5[%arg0, %mul3A_46, %dma_start3A_47] : memref<2x10240x128xf32, #tpu.memory_space<hbm>> -> memref<1x640x128xf32, #tpu.memory_space<hbm>>
      %dma_start3A_49 = tpu.memref_squeeze %dma_start3A_48 : memref<1x640x128xf32, #tpu.memory_space<hbm>> -> memref<640x128xf32, #tpu.memory_space<hbm>>
      %dma_start3A_50 = arith.constant 0 : i32
      %dma_start3A_51 = tpu.memref_slice %arg19[%mul3A_44, %dma_start3A_50] : memref<10240x128xf32, #tpu.memory_space<vmem_shared>> -> memref<640x128xf32, #tpu.memory_space<vmem_shared>>
      tpu.enqueue_dma source(%dma_start3A_51 : memref<640x128xf32, #tpu.memory_space<vmem_shared>>) target(%dma_start3A_49 : memref<640x128xf32, #tpu.memory_space<hbm>>) target_semaphore(%run_scoped3A : memref<!tpu.dma_semaphore, #tpu.memory_space<semaphore_mem>>)
      %dma_wait3A_52 = arith.constant 0 : i32
      %dma_wait3A_53 = tpu.memref_slice %arg5[%arg0, %mul3A_46, %dma_wait3A_52] : memref<2x10240x128xf32, #tpu.memory_space<hbm>> -> memref<1x640x128xf32, #tpu.memory_space<hbm>>
      %dma_wait3A_54 = tpu.memref_squeeze %dma_wait3A_53 : memref<1x640x128xf32, #tpu.memory_space<hbm>> -> memref<640x128xf32, #tpu.memory_space<hbm>>
      %dma_wait3A_55 = arith.constant 0 : i32
      %dma_wait3A_56 = tpu.memref_slice %arg19[%mul3A_44, %dma_wait3A_55] : memref<10240x128xf32, #tpu.memory_space<vmem_shared>> -> memref<640x128xf32, #tpu.memory_space<vmem_shared>>
      tpu.wait_dma2 semaphore(%run_scoped3A : memref<!tpu.dma_semaphore, #tpu.memory_space<semaphore_mem>>) src(%dma_wait3A_56 : memref<640x128xf32, #tpu.memory_space<vmem_shared>>) dst(%dma_wait3A_54 : memref<640x128xf32, #tpu.memory_space<hbm>>)
      tpu.yield
    }) : () -> ()
    return
  }
}

#map = affine_map<(d0, d1) -> (0, 0)>
#map1 = affine_map<(d0, d1) -> (0)>
#map2 = affine_map<(d0, d1) -> (0, 0, 0)>
module attributes {stable_mosaic.version = 14 : i64} {
  func.func @k(%arg0: i32, %arg1: i32, %arg2: memref<10240x128xf32, #tpu.memory_space<hbm>>, %arg3: memref<327680xi32, #tpu.memory_space<hbm>>, %arg4: memref<327680xi32, #tpu.memory_space<hbm>>, %arg5: memref<10240x128xf32, #tpu.memory_space<hbm>>, %arg6: memref<2x10240x128xf32, #tpu.memory_space<hbm>>, %arg7: memref<64xi32, #tpu.memory_space<vmem>>, %arg8: memref<64xi32, #tpu.memory_space<vmem>>, %arg9: memref<64xi32, #tpu.memory_space<vmem>>, %arg10: memref<64xi32, #tpu.memory_space<vmem>>, %arg11: memref<64xi32, #tpu.memory_space<vmem>>, %arg12: memref<64xi32, #tpu.memory_space<vmem>>, %arg13: memref<64xi32, #tpu.memory_space<vmem>>, %arg14: memref<64xi32, #tpu.memory_space<vmem>>, %arg15: memref<64x128xf32, #tpu.memory_space<vmem>>, %arg16: memref<64x128xf32, #tpu.memory_space<vmem>>, %arg17: memref<64x128xf32, #tpu.memory_space<vmem>>, %arg18: memref<64x128xf32, #tpu.memory_space<vmem>>, %arg19: memref<!tpu.dma_semaphore, #tpu.memory_space<semaphore_mem>>, %arg20: memref<!tpu.dma_semaphore, #tpu.memory_space<semaphore_mem>>, %arg21: memref<!tpu.dma_semaphore, #tpu.memory_space<semaphore_mem>>, %arg22: memref<!tpu.dma_semaphore, #tpu.memory_space<semaphore_mem>>, %arg23: memref<!tpu.dma_semaphore, #tpu.memory_space<semaphore_mem>>, %arg24: memref<!tpu.dma_semaphore, #tpu.memory_space<semaphore_mem>>, %arg25: memref<!tpu.dma_semaphore, #tpu.memory_space<semaphore_mem>>, %arg26: memref<!tpu.dma_semaphore, #tpu.memory_space<semaphore_mem>>, %arg27: memref<!tpu.dma_semaphore, #tpu.memory_space<semaphore_mem>>, %arg28: memref<!tpu.dma_semaphore, #tpu.memory_space<semaphore_mem>>, %arg29: memref<!tpu.dma_semaphore, #tpu.memory_space<semaphore_mem>>, %arg30: memref<!tpu.dma_semaphore, #tpu.memory_space<semaphore_mem>>, %arg31: memref<!tpu.dma_semaphore, #tpu.memory_space<semaphore_mem>>, %arg32: memref<!tpu.dma_semaphore, #tpu.memory_space<semaphore_mem>>, %arg33: memref<!tpu.dma_semaphore, #tpu.memory_space<semaphore_mem>>, %arg34: memref<!tpu.dma_semaphore, #tpu.memory_space<semaphore_mem>>, %arg35: memref<10240x128xf32, #tpu.memory_space<vmem_shared>>) attributes {dimension_semantics = [#tpu.dimension_semantics<core_parallel>, #tpu.dimension_semantics<subcore_parallel>], iteration_bounds = array<i64: 2, 16>, scalar_prefetch = 0 : i64, scratch_operands = 29 : i64, tpu.core_type = #tpu.core_type<sc_vector_subcore>, window_params = [{transform_indices = #map}, {transform_indices = #map1}, {transform_indices = #map1}, {transform_indices = #map}, {transform_indices = #map2}]} {
    %mul3A = arith.constant 2 : i32
    %mul3A_0 = arith.muli %arg1, %mul3A : i32
    %add3A = arith.addi %mul3A_0, %arg0 : i32
    %mul3A_1 = arith.constant 640 : i32
    %mul3A_2 = arith.muli %arg1, %mul3A_1 : i32
    %mul3A_3 = arith.constant 640 : i32
    %mul3A_4 = arith.muli %arg1, %mul3A_3 : i32
    "tpu.region"() ({
      %run_scoped3A = tpu.sem_alloc : memref<!tpu.dma_semaphore, #tpu.memory_space<semaphore_mem>>
      %dma_start3A_88 = arith.constant 0 : i32
      %dma_start3A_89 = tpu.memref_slice %arg35[%mul3A_4, %dma_start3A_88] : memref<10240x128xf32, #tpu.memory_space<vmem_shared>> -> memref<640x128xf32, #tpu.memory_space<vmem_shared>>
      %dma_start3A_90 = arith.constant 0 : i32
      %dma_start3A_91 = tpu.memref_slice %arg5[%mul3A_2, %dma_start3A_90] : memref<10240x128xf32, #tpu.memory_space<hbm>> -> memref<640x128xf32, #tpu.memory_space<hbm>>
      tpu.enqueue_dma source(%dma_start3A_91 : memref<640x128xf32, #tpu.memory_space<hbm>>) target(%dma_start3A_89 : memref<640x128xf32, #tpu.memory_space<vmem_shared>>) target_semaphore(%run_scoped3A : memref<!tpu.dma_semaphore, #tpu.memory_space<semaphore_mem>>)
      %dma_wait3A_92 = arith.constant 0 : i32
      %dma_wait3A_93 = tpu.memref_slice %arg35[%mul3A_4, %dma_wait3A_92] : memref<10240x128xf32, #tpu.memory_space<vmem_shared>> -> memref<640x128xf32, #tpu.memory_space<vmem_shared>>
      %dma_wait3A_94 = arith.constant 0 : i32
      %dma_wait3A_95 = tpu.memref_slice %arg5[%mul3A_2, %dma_wait3A_94] : memref<10240x128xf32, #tpu.memory_space<hbm>> -> memref<640x128xf32, #tpu.memory_space<hbm>>
      tpu.wait_dma2 semaphore(%run_scoped3A : memref<!tpu.dma_semaphore, #tpu.memory_space<semaphore_mem>>) src(%dma_wait3A_95 : memref<640x128xf32, #tpu.memory_space<hbm>>) dst(%dma_wait3A_93 : memref<640x128xf32, #tpu.memory_space<vmem_shared>>)
      tpu.yield
    }) : () -> ()
    %barrier3A = arith.constant 0 : index
    tpu.barrier barrier_id(%barrier3A)
    %eq3A = arith.constant 0 : i32
    %eq3A_5 = arith.cmpi eq, %arg0, %eq3A : i32
    %jit3A = arith.constant 19968 : i32
    %jit3A_6 = arith.constant 512 : i32
    %select_n3A = arith.select %eq3A_5, %jit3A, %jit3A_6 : i32
    %eq3A_7 = arith.constant 0 : i32
    %eq3A_8 = arith.cmpi eq, %arg0, %eq3A_7 : i32
    %jit3A_9 = arith.constant 78 : i32
    %jit3A_10 = arith.constant 2 : i32
    %select_n3A_11 = arith.select %eq3A_8, %jit3A_9, %jit3A_10 : i32
    %mul3A_12 = arith.constant 319488 : i32
    %mul3A_13 = arith.muli %arg0, %mul3A_12 : i32
    %mul3A_14 = arith.muli %arg1, %select_n3A : i32
    %add3A_15 = arith.addi %mul3A_13, %mul3A_14 : i32
    %multiple_of3A = tpu.assume_multiple %add3A_15, 8 : i32
    %add3A_16 = arith.constant 0 : i32
    %add3A_17 = arith.addi %multiple_of3A, %add3A_16 : i32
    %multiple_of3A_18 = tpu.assume_multiple %add3A_17, 8 : i32
    %dma_start3A = tpu.memref_slice %arg3[%multiple_of3A_18] : memref<327680xi32, #tpu.memory_space<hbm>> -> memref<64xi32, #tpu.memory_space<hbm>>
    %dma_start3A_19 = tpu.memref_slice %arg3[%multiple_of3A_18] : memref<327680xi32, #tpu.memory_space<hbm>> -> memref<64xi32, #tpu.memory_space<hbm>>
    tpu.enqueue_dma source(%dma_start3A_19 : memref<64xi32, #tpu.memory_space<hbm>>) target(%arg7 : memref<64xi32, #tpu.memory_space<vmem>>) target_semaphore(%arg19 : memref<!tpu.dma_semaphore, #tpu.memory_space<semaphore_mem>>)
    %dma_start3A_20 = tpu.memref_slice %arg4[%multiple_of3A_18] : memref<327680xi32, #tpu.memory_space<hbm>> -> memref<64xi32, #tpu.memory_space<hbm>>
    %dma_start3A_21 = tpu.memref_slice %arg4[%multiple_of3A_18] : memref<327680xi32, #tpu.memory_space<hbm>> -> memref<64xi32, #tpu.memory_space<hbm>>
    tpu.enqueue_dma source(%dma_start3A_21 : memref<64xi32, #tpu.memory_space<hbm>>) target(%arg11 : memref<64xi32, #tpu.memory_space<vmem>>) target_semaphore(%arg23 : memref<!tpu.dma_semaphore, #tpu.memory_space<semaphore_mem>>)
    %dma_wait3A = tpu.memref_slice %arg3[%multiple_of3A] : memref<327680xi32, #tpu.memory_space<hbm>> -> memref<64xi32, #tpu.memory_space<hbm>>
    %dma_wait3A_22 = tpu.memref_slice %arg3[%multiple_of3A] : memref<327680xi32, #tpu.memory_space<hbm>> -> memref<64xi32, #tpu.memory_space<hbm>>
    tpu.wait_dma2 semaphore(%arg19 : memref<!tpu.dma_semaphore, #tpu.memory_space<semaphore_mem>>) src(%dma_wait3A_22 : memref<64xi32, #tpu.memory_space<hbm>>) dst(%arg7 : memref<64xi32, #tpu.memory_space<vmem>>)
    %dma_start3A_23 = arith.constant 0 : i32
    %dma_start3A_24 = arith.constant 0 : i32
    %dma_start3A_25 = tpu.memref_slice %arg2[%dma_start3A_23, %dma_start3A_24] : memref<10240x128xf32, #tpu.memory_space<hbm>> -> memref<10240x128xf32, #tpu.memory_space<hbm>>
    tpu.enqueue_indirect_dma source(%dma_start3A_25 : memref<10240x128xf32, #tpu.memory_space<hbm>>) target(%arg15 : memref<64x128xf32, #tpu.memory_space<vmem>>) offsets(%arg7 : memref<64xi32, #tpu.memory_space<vmem>>) semaphore(%arg27 : memref<!tpu.dma_semaphore, #tpu.memory_space<semaphore_mem>>)
    %add3A_26 = arith.constant 64 : i32
    %add3A_27 = arith.addi %multiple_of3A, %add3A_26 : i32
    %multiple_of3A_28 = tpu.assume_multiple %add3A_27, 8 : i32
    %dma_start3A_29 = tpu.memref_slice %arg3[%multiple_of3A_28] : memref<327680xi32, #tpu.memory_space<hbm>> -> memref<64xi32, #tpu.memory_space<hbm>>
    %dma_start3A_30 = tpu.memref_slice %arg3[%multiple_of3A_28] : memref<327680xi32, #tpu.memory_space<hbm>> -> memref<64xi32, #tpu.memory_space<hbm>>
    tpu.enqueue_dma source(%dma_start3A_30 : memref<64xi32, #tpu.memory_space<hbm>>) target(%arg8 : memref<64xi32, #tpu.memory_space<vmem>>) target_semaphore(%arg20 : memref<!tpu.dma_semaphore, #tpu.memory_space<semaphore_mem>>)
    %dma_start3A_31 = tpu.memref_slice %arg4[%multiple_of3A_28] : memref<327680xi32, #tpu.memory_space<hbm>> -> memref<64xi32, #tpu.memory_space<hbm>>
    %dma_start3A_32 = tpu.memref_slice %arg4[%multiple_of3A_28] : memref<327680xi32, #tpu.memory_space<hbm>> -> memref<64xi32, #tpu.memory_space<hbm>>
    tpu.enqueue_dma source(%dma_start3A_32 : memref<64xi32, #tpu.memory_space<hbm>>) target(%arg12 : memref<64xi32, #tpu.memory_space<vmem>>) target_semaphore(%arg24 : memref<!tpu.dma_semaphore, #tpu.memory_space<semaphore_mem>>)
    %dma_wait3A_33 = tpu.memref_slice %arg3[%multiple_of3A] : memref<327680xi32, #tpu.memory_space<hbm>> -> memref<64xi32, #tpu.memory_space<hbm>>
    %dma_wait3A_34 = tpu.memref_slice %arg3[%multiple_of3A] : memref<327680xi32, #tpu.memory_space<hbm>> -> memref<64xi32, #tpu.memory_space<hbm>>
    tpu.wait_dma2 semaphore(%arg20 : memref<!tpu.dma_semaphore, #tpu.memory_space<semaphore_mem>>) src(%dma_wait3A_34 : memref<64xi32, #tpu.memory_space<hbm>>) dst(%arg8 : memref<64xi32, #tpu.memory_space<vmem>>)
    %dma_start3A_35 = arith.constant 0 : i32
    %dma_start3A_36 = arith.constant 0 : i32
    %dma_start3A_37 = tpu.memref_slice %arg2[%dma_start3A_35, %dma_start3A_36] : memref<10240x128xf32, #tpu.memory_space<hbm>> -> memref<10240x128xf32, #tpu.memory_space<hbm>>
    tpu.enqueue_indirect_dma source(%dma_start3A_37 : memref<10240x128xf32, #tpu.memory_space<hbm>>) target(%arg16 : memref<64x128xf32, #tpu.memory_space<vmem>>) offsets(%arg8 : memref<64xi32, #tpu.memory_space<vmem>>) semaphore(%arg28 : memref<!tpu.dma_semaphore, #tpu.memory_space<semaphore_mem>>)
    %add3A_38 = arith.constant 128 : i32
    %add3A_39 = arith.addi %multiple_of3A, %add3A_38 : i32
    %multiple_of3A_40 = tpu.assume_multiple %add3A_39, 8 : i32
    %dma_start3A_41 = tpu.memref_slice %arg3[%multiple_of3A_40] : memref<327680xi32, #tpu.memory_space<hbm>> -> memref<64xi32, #tpu.memory_space<hbm>>
    %dma_start3A_42 = tpu.memref_slice %arg3[%multiple_of3A_40] : memref<327680xi32, #tpu.memory_space<hbm>> -> memref<64xi32, #tpu.memory_space<hbm>>
    tpu.enqueue_dma source(%dma_start3A_42 : memref<64xi32, #tpu.memory_space<hbm>>) target(%arg9 : memref<64xi32, #tpu.memory_space<vmem>>) target_semaphore(%arg21 : memref<!tpu.dma_semaphore, #tpu.memory_space<semaphore_mem>>)
    %dma_start3A_43 = tpu.memref_slice %arg4[%multiple_of3A_40] : memref<327680xi32, #tpu.memory_space<hbm>> -> memref<64xi32, #tpu.memory_space<hbm>>
    %dma_start3A_44 = tpu.memref_slice %arg4[%multiple_of3A_40] : memref<327680xi32, #tpu.memory_space<hbm>> -> memref<64xi32, #tpu.memory_space<hbm>>
    tpu.enqueue_dma source(%dma_start3A_44 : memref<64xi32, #tpu.memory_space<hbm>>) target(%arg13 : memref<64xi32, #tpu.memory_space<vmem>>) target_semaphore(%arg25 : memref<!tpu.dma_semaphore, #tpu.memory_space<semaphore_mem>>)
    %dma_wait3A_45 = tpu.memref_slice %arg3[%multiple_of3A] : memref<327680xi32, #tpu.memory_space<hbm>> -> memref<64xi32, #tpu.memory_space<hbm>>
    %dma_wait3A_46 = tpu.memref_slice %arg3[%multiple_of3A] : memref<327680xi32, #tpu.memory_space<hbm>> -> memref<64xi32, #tpu.memory_space<hbm>>
    tpu.wait_dma2 semaphore(%arg21 : memref<!tpu.dma_semaphore, #tpu.memory_space<semaphore_mem>>) src(%dma_wait3A_46 : memref<64xi32, #tpu.memory_space<hbm>>) dst(%arg9 : memref<64xi32, #tpu.memory_space<vmem>>)
    %dma_start3A_47 = arith.constant 0 : i32
    %dma_start3A_48 = arith.constant 0 : i32
    %dma_start3A_49 = tpu.memref_slice %arg2[%dma_start3A_47, %dma_start3A_48] : memref<10240x128xf32, #tpu.memory_space<hbm>> -> memref<10240x128xf32, #tpu.memory_space<hbm>>
    tpu.enqueue_indirect_dma source(%dma_start3A_49 : memref<10240x128xf32, #tpu.memory_space<hbm>>) target(%arg17 : memref<64x128xf32, #tpu.memory_space<vmem>>) offsets(%arg9 : memref<64xi32, #tpu.memory_space<vmem>>) semaphore(%arg29 : memref<!tpu.dma_semaphore, #tpu.memory_space<semaphore_mem>>)
    %add3A_50 = arith.constant 192 : i32
    %add3A_51 = arith.addi %multiple_of3A, %add3A_50 : i32
    %multiple_of3A_52 = tpu.assume_multiple %add3A_51, 8 : i32
    %dma_start3A_53 = tpu.memref_slice %arg3[%multiple_of3A_52] : memref<327680xi32, #tpu.memory_space<hbm>> -> memref<64xi32, #tpu.memory_space<hbm>>
    %dma_start3A_54 = tpu.memref_slice %arg3[%multiple_of3A_52] : memref<327680xi32, #tpu.memory_space<hbm>> -> memref<64xi32, #tpu.memory_space<hbm>>
    tpu.enqueue_dma source(%dma_start3A_54 : memref<64xi32, #tpu.memory_space<hbm>>) target(%arg10 : memref<64xi32, #tpu.memory_space<vmem>>) target_semaphore(%arg22 : memref<!tpu.dma_semaphore, #tpu.memory_space<semaphore_mem>>)
    %dma_start3A_55 = tpu.memref_slice %arg4[%multiple_of3A_52] : memref<327680xi32, #tpu.memory_space<hbm>> -> memref<64xi32, #tpu.memory_space<hbm>>
    %dma_start3A_56 = tpu.memref_slice %arg4[%multiple_of3A_52] : memref<327680xi32, #tpu.memory_space<hbm>> -> memref<64xi32, #tpu.memory_space<hbm>>
    tpu.enqueue_dma source(%dma_start3A_56 : memref<64xi32, #tpu.memory_space<hbm>>) target(%arg14 : memref<64xi32, #tpu.memory_space<vmem>>) target_semaphore(%arg26 : memref<!tpu.dma_semaphore, #tpu.memory_space<semaphore_mem>>)
    %dma_wait3A_57 = tpu.memref_slice %arg3[%multiple_of3A] : memref<327680xi32, #tpu.memory_space<hbm>> -> memref<64xi32, #tpu.memory_space<hbm>>
    %dma_wait3A_58 = tpu.memref_slice %arg3[%multiple_of3A] : memref<327680xi32, #tpu.memory_space<hbm>> -> memref<64xi32, #tpu.memory_space<hbm>>
    tpu.wait_dma2 semaphore(%arg22 : memref<!tpu.dma_semaphore, #tpu.memory_space<semaphore_mem>>) src(%dma_wait3A_58 : memref<64xi32, #tpu.memory_space<hbm>>) dst(%arg10 : memref<64xi32, #tpu.memory_space<vmem>>)
    %dma_start3A_59 = arith.constant 0 : i32
    %dma_start3A_60 = arith.constant 0 : i32
    %dma_start3A_61 = tpu.memref_slice %arg2[%dma_start3A_59, %dma_start3A_60] : memref<10240x128xf32, #tpu.memory_space<hbm>> -> memref<10240x128xf32, #tpu.memory_space<hbm>>
    tpu.enqueue_indirect_dma source(%dma_start3A_61 : memref<10240x128xf32, #tpu.memory_space<hbm>>) target(%arg18 : memref<64x128xf32, #tpu.memory_space<vmem>>) offsets(%arg10 : memref<64xi32, #tpu.memory_space<vmem>>) semaphore(%arg30 : memref<!tpu.dma_semaphore, #tpu.memory_space<semaphore_mem>>)
    %while3A = arith.constant 0 : i32
    %while3A_62 = arith.constant 0 : i32
    %while3A_63 = arith.subi %select_n3A_11, %while3A_62 : i32
    %while3A_64 = arith.addi %while3A_62, %while3A_63 : i32
    %while3A_65 = arith.constant 1 : i32
    %while3A_66 = arith.divsi %while3A_63, %while3A_65 : i32
    %while3A_67 = arith.muli %while3A_66, %while3A_65 : i32
    %while3A_68 = arith.addi %while3A_62, %while3A_67 : i32
    %while3A_69 = arith.constant 1 : i32
    scf.for %while3A_88 = %while3A_62 to %while3A_68 step %while3A_69  : i32 {
      %dma_wait3A_89 = arith.constant 0 : i32
      %dma_wait3A_90 = arith.constant 0 : i32
      %dma_wait3A_91 = tpu.memref_slice %arg2[%dma_wait3A_89, %dma_wait3A_90] : memref<10240x128xf32, #tpu.memory_space<hbm>> -> memref<10240x128xf32, #tpu.memory_space<hbm>>
      tpu.wait_indirect_dma semaphore(%arg27 : memref<!tpu.dma_semaphore, #tpu.memory_space<semaphore_mem>>) src(%dma_wait3A_91 : memref<10240x128xf32, #tpu.memory_space<hbm>>) dst(%arg15 : memref<64x128xf32, #tpu.memory_space<vmem>>)
      %sub3A = arith.constant 1 : i32
      %sub3A_92 = arith.subi %select_n3A_11, %sub3A : i32
      %lt3A = arith.cmpi slt, %while3A_88, %sub3A_92 : i32
      %convert_element_type3A = arith.extui %lt3A : i1 to i32
      %cond3A = arith.constant 0 : i32
      %cond3A_93 = arith.cmpi ne, %convert_element_type3A, %cond3A : i32
      scf.if %cond3A_93 {
        %add3A_165 = arith.constant 1 : i32
        %add3A_166 = arith.addi %while3A_88, %add3A_165 : i32
        %mul3A_167 = arith.constant 4 : i32
        %mul3A_168 = arith.muli %add3A_166, %mul3A_167 : i32
        %add3A_169 = arith.constant 0 : i32
        %add3A_170 = arith.addi %mul3A_168, %add3A_169 : i32
        %mul3A_171 = arith.constant 64 : i32
        %mul3A_172 = arith.muli %add3A_170, %mul3A_171 : i32
        %add3A_173 = arith.addi %multiple_of3A, %mul3A_172 : i32
        %multiple_of3A_174 = tpu.assume_multiple %add3A_173, 8 : i32
        %dma_start3A_175 = tpu.memref_slice %arg3[%multiple_of3A_174] : memref<327680xi32, #tpu.memory_space<hbm>> -> memref<64xi32, #tpu.memory_space<hbm>>
        %dma_start3A_176 = tpu.memref_slice %arg3[%multiple_of3A_174] : memref<327680xi32, #tpu.memory_space<hbm>> -> memref<64xi32, #tpu.memory_space<hbm>>
        tpu.enqueue_dma source(%dma_start3A_176 : memref<64xi32, #tpu.memory_space<hbm>>) target(%arg7 : memref<64xi32, #tpu.memory_space<vmem>>) target_semaphore(%arg19 : memref<!tpu.dma_semaphore, #tpu.memory_space<semaphore_mem>>)
      } else {
      }
      %dma_wait3A_94 = tpu.memref_slice %arg4[%multiple_of3A] : memref<327680xi32, #tpu.memory_space<hbm>> -> memref<64xi32, #tpu.memory_space<hbm>>
      %dma_wait3A_95 = tpu.memref_slice %arg4[%multiple_of3A] : memref<327680xi32, #tpu.memory_space<hbm>> -> memref<64xi32, #tpu.memory_space<hbm>>
      tpu.wait_dma2 semaphore(%arg23 : memref<!tpu.dma_semaphore, #tpu.memory_space<semaphore_mem>>) src(%dma_wait3A_95 : memref<64xi32, #tpu.memory_space<hbm>>) dst(%arg11 : memref<64xi32, #tpu.memory_space<vmem>>)
      %dma_start3A_96 = arith.constant 0 : i32
      %dma_start3A_97 = arith.constant 0 : i32
      %dma_start3A_98 = tpu.memref_slice %arg35[%dma_start3A_96, %dma_start3A_97] : memref<10240x128xf32, #tpu.memory_space<vmem_shared>> -> memref<10240x128xf32, #tpu.memory_space<vmem_shared>>
      tpu.enqueue_indirect_dma source(%arg15 : memref<64x128xf32, #tpu.memory_space<vmem>>) target(%dma_start3A_98 : memref<10240x128xf32, #tpu.memory_space<vmem_shared>>) offsets(%arg11 : memref<64xi32, #tpu.memory_space<vmem>>) semaphore(%arg31 : memref<!tpu.dma_semaphore, #tpu.memory_space<semaphore_mem>>) {add = true}
      %sub3A_99 = arith.constant 1 : i32
      %sub3A_100 = arith.subi %select_n3A_11, %sub3A_99 : i32
      %lt3A_101 = arith.cmpi slt, %while3A_88, %sub3A_100 : i32
      %convert_element_type3A_102 = arith.extui %lt3A_101 : i1 to i32
      %cond3A_103 = arith.constant 0 : i32
      %cond3A_104 = arith.cmpi ne, %convert_element_type3A_102, %cond3A_103 : i32
      scf.if %cond3A_104 {
        %add3A_165 = arith.constant 1 : i32
        %add3A_166 = arith.addi %while3A_88, %add3A_165 : i32
        %mul3A_167 = arith.constant 4 : i32
        %mul3A_168 = arith.muli %add3A_166, %mul3A_167 : i32
        %add3A_169 = arith.constant 0 : i32
        %add3A_170 = arith.addi %mul3A_168, %add3A_169 : i32
        %mul3A_171 = arith.constant 64 : i32
        %mul3A_172 = arith.muli %add3A_170, %mul3A_171 : i32
        %add3A_173 = arith.addi %multiple_of3A, %mul3A_172 : i32
        %multiple_of3A_174 = tpu.assume_multiple %add3A_173, 8 : i32
        %dma_wait3A_175 = arith.constant 0 : i32
        %dma_wait3A_176 = arith.constant 0 : i32
        %dma_wait3A_177 = tpu.memref_slice %arg35[%dma_wait3A_175, %dma_wait3A_176] : memref<10240x128xf32, #tpu.memory_space<vmem_shared>> -> memref<10240x128xf32, #tpu.memory_space<vmem_shared>>
        tpu.wait_indirect_dma semaphore(%arg31 : memref<!tpu.dma_semaphore, #tpu.memory_space<semaphore_mem>>) src(%arg15 : memref<64x128xf32, #tpu.memory_space<vmem>>) dst(%dma_wait3A_177 : memref<10240x128xf32, #tpu.memory_space<vmem_shared>>)
        %dma_start3A_178 = tpu.memref_slice %arg4[%multiple_of3A_174] : memref<327680xi32, #tpu.memory_space<hbm>> -> memref<64xi32, #tpu.memory_space<hbm>>
        %dma_start3A_179 = tpu.memref_slice %arg4[%multiple_of3A_174] : memref<327680xi32, #tpu.memory_space<hbm>> -> memref<64xi32, #tpu.memory_space<hbm>>
        tpu.enqueue_dma source(%dma_start3A_179 : memref<64xi32, #tpu.memory_space<hbm>>) target(%arg11 : memref<64xi32, #tpu.memory_space<vmem>>) target_semaphore(%arg23 : memref<!tpu.dma_semaphore, #tpu.memory_space<semaphore_mem>>)
        %dma_wait3A_180 = tpu.memref_slice %arg3[%multiple_of3A] : memref<327680xi32, #tpu.memory_space<hbm>> -> memref<64xi32, #tpu.memory_space<hbm>>
        %dma_wait3A_181 = tpu.memref_slice %arg3[%multiple_of3A] : memref<327680xi32, #tpu.memory_space<hbm>> -> memref<64xi32, #tpu.memory_space<hbm>>
        tpu.wait_dma2 semaphore(%arg19 : memref<!tpu.dma_semaphore, #tpu.memory_space<semaphore_mem>>) src(%dma_wait3A_181 : memref<64xi32, #tpu.memory_space<hbm>>) dst(%arg7 : memref<64xi32, #tpu.memory_space<vmem>>)
        %dma_start3A_182 = arith.constant 0 : i32
        %dma_start3A_183 = arith.constant 0 : i32
        %dma_start3A_184 = tpu.memref_slice %arg2[%dma_start3A_182, %dma_start3A_183] : memref<10240x128xf32, #tpu.memory_space<hbm>> -> memref<10240x128xf32, #tpu.memory_space<hbm>>
        tpu.enqueue_indirect_dma source(%dma_start3A_184 : memref<10240x128xf32, #tpu.memory_space<hbm>>) target(%arg15 : memref<64x128xf32, #tpu.memory_space<vmem>>) offsets(%arg7 : memref<64xi32, #tpu.memory_space<vmem>>) semaphore(%arg27 : memref<!tpu.dma_semaphore, #tpu.memory_space<semaphore_mem>>)
      } else {
      }
      %dma_wait3A_105 = arith.constant 0 : i32
      %dma_wait3A_106 = arith.constant 0 : i32
      %dma_wait3A_107 = tpu.memref_slice %arg2[%dma_wait3A_105, %dma_wait3A_106] : memref<10240x128xf32, #tpu.memory_space<hbm>> -> memref<10240x128xf32, #tpu.memory_space<hbm>>
      tpu.wait_indirect_dma semaphore(%arg28 : memref<!tpu.dma_semaphore, #tpu.memory_space<semaphore_mem>>) src(%dma_wait3A_107 : memref<10240x128xf32, #tpu.memory_space<hbm>>) dst(%arg16 : memref<64x128xf32, #tpu.memory_space<vmem>>)
      %sub3A_108 = arith.constant 1 : i32
      %sub3A_109 = arith.subi %select_n3A_11, %sub3A_108 : i32
      %lt3A_110 = arith.cmpi slt, %while3A_88, %sub3A_109 : i32
      %convert_element_type3A_111 = arith.extui %lt3A_110 : i1 to i32
      %cond3A_112 = arith.constant 0 : i32
      %cond3A_113 = arith.cmpi ne, %convert_element_type3A_111, %cond3A_112 : i32
      scf.if %cond3A_113 {
        %add3A_165 = arith.constant 1 : i32
        %add3A_166 = arith.addi %while3A_88, %add3A_165 : i32
        %mul3A_167 = arith.constant 4 : i32
        %mul3A_168 = arith.muli %add3A_166, %mul3A_167 : i32
        %add3A_169 = arith.constant 1 : i32
        %add3A_170 = arith.addi %mul3A_168, %add3A_169 : i32
        %mul3A_171 = arith.constant 64 : i32
        %mul3A_172 = arith.muli %add3A_170, %mul3A_171 : i32
        %add3A_173 = arith.addi %multiple_of3A, %mul3A_172 : i32
        %multiple_of3A_174 = tpu.assume_multiple %add3A_173, 8 : i32
        %dma_start3A_175 = tpu.memref_slice %arg3[%multiple_of3A_174] : memref<327680xi32, #tpu.memory_space<hbm>> -> memref<64xi32, #tpu.memory_space<hbm>>
        %dma_start3A_176 = tpu.memref_slice %arg3[%multiple_of3A_174] : memref<327680xi32, #tpu.memory_space<hbm>> -> memref<64xi32, #tpu.memory_space<hbm>>
        tpu.enqueue_dma source(%dma_start3A_176 : memref<64xi32, #tpu.memory_space<hbm>>) target(%arg8 : memref<64xi32, #tpu.memory_space<vmem>>) target_semaphore(%arg20 : memref<!tpu.dma_semaphore, #tpu.memory_space<semaphore_mem>>)
      } else {
      }
      %dma_wait3A_114 = tpu.memref_slice %arg4[%multiple_of3A] : memref<327680xi32, #tpu.memory_space<hbm>> -> memref<64xi32, #tpu.memory_space<hbm>>
      %dma_wait3A_115 = tpu.memref_slice %arg4[%multiple_of3A] : memref<327680xi32, #tpu.memory_space<hbm>> -> memref<64xi32, #tpu.memory_space<hbm>>
      tpu.wait_dma2 semaphore(%arg24 : memref<!tpu.dma_semaphore, #tpu.memory_space<semaphore_mem>>) src(%dma_wait3A_115 : memref<64xi32, #tpu.memory_space<hbm>>) dst(%arg12 : memref<64xi32, #tpu.memory_space<vmem>>)
      %dma_start3A_116 = arith.constant 0 : i32
      %dma_start3A_117 = arith.constant 0 : i32
      %dma_start3A_118 = tpu.memref_slice %arg35[%dma_start3A_116, %dma_start3A_117] : memref<10240x128xf32, #tpu.memory_space<vmem_shared>> -> memref<10240x128xf32, #tpu.memory_space<vmem_shared>>
      tpu.enqueue_indirect_dma source(%arg16 : memref<64x128xf32, #tpu.memory_space<vmem>>) target(%dma_start3A_118 : memref<10240x128xf32, #tpu.memory_space<vmem_shared>>) offsets(%arg12 : memref<64xi32, #tpu.memory_space<vmem>>) semaphore(%arg32 : memref<!tpu.dma_semaphore, #tpu.memory_space<semaphore_mem>>) {add = true}
      %sub3A_119 = arith.constant 1 : i32
      %sub3A_120 = arith.subi %select_n3A_11, %sub3A_119 : i32
      %lt3A_121 = arith.cmpi slt, %while3A_88, %sub3A_120 : i32
      %convert_element_type3A_122 = arith.extui %lt3A_121 : i1 to i32
      %cond3A_123 = arith.constant 0 : i32
      %cond3A_124 = arith.cmpi ne, %convert_element_type3A_122, %cond3A_123 : i32
      scf.if %cond3A_124 {
        %add3A_165 = arith.constant 1 : i32
        %add3A_166 = arith.addi %while3A_88, %add3A_165 : i32
        %mul3A_167 = arith.constant 4 : i32
        %mul3A_168 = arith.muli %add3A_166, %mul3A_167 : i32
        %add3A_169 = arith.constant 1 : i32
        %add3A_170 = arith.addi %mul3A_168, %add3A_169 : i32
        %mul3A_171 = arith.constant 64 : i32
        %mul3A_172 = arith.muli %add3A_170, %mul3A_171 : i32
        %add3A_173 = arith.addi %multiple_of3A, %mul3A_172 : i32
        %multiple_of3A_174 = tpu.assume_multiple %add3A_173, 8 : i32
        %dma_wait3A_175 = arith.constant 0 : i32
        %dma_wait3A_176 = arith.constant 0 : i32
        %dma_wait3A_177 = tpu.memref_slice %arg35[%dma_wait3A_175, %dma_wait3A_176] : memref<10240x128xf32, #tpu.memory_space<vmem_shared>> -> memref<10240x128xf32, #tpu.memory_space<vmem_shared>>
        tpu.wait_indirect_dma semaphore(%arg32 : memref<!tpu.dma_semaphore, #tpu.memory_space<semaphore_mem>>) src(%arg16 : memref<64x128xf32, #tpu.memory_space<vmem>>) dst(%dma_wait3A_177 : memref<10240x128xf32, #tpu.memory_space<vmem_shared>>)
        %dma_start3A_178 = tpu.memref_slice %arg4[%multiple_of3A_174] : memref<327680xi32, #tpu.memory_space<hbm>> -> memref<64xi32, #tpu.memory_space<hbm>>
        %dma_start3A_179 = tpu.memref_slice %arg4[%multiple_of3A_174] : memref<327680xi32, #tpu.memory_space<hbm>> -> memref<64xi32, #tpu.memory_space<hbm>>
        tpu.enqueue_dma source(%dma_start3A_179 : memref<64xi32, #tpu.memory_space<hbm>>) target(%arg12 : memref<64xi32, #tpu.memory_space<vmem>>) target_semaphore(%arg24 : memref<!tpu.dma_semaphore, #tpu.memory_space<semaphore_mem>>)
        %dma_wait3A_180 = tpu.memref_slice %arg3[%multiple_of3A] : memref<327680xi32, #tpu.memory_space<hbm>> -> memref<64xi32, #tpu.memory_space<hbm>>
        %dma_wait3A_181 = tpu.memref_slice %arg3[%multiple_of3A] : memref<327680xi32, #tpu.memory_space<hbm>> -> memref<64xi32, #tpu.memory_space<hbm>>
        tpu.wait_dma2 semaphore(%arg20 : memref<!tpu.dma_semaphore, #tpu.memory_space<semaphore_mem>>) src(%dma_wait3A_181 : memref<64xi32, #tpu.memory_space<hbm>>) dst(%arg8 : memref<64xi32, #tpu.memory_space<vmem>>)
        %dma_start3A_182 = arith.constant 0 : i32
        %dma_start3A_183 = arith.constant 0 : i32
        %dma_start3A_184 = tpu.memref_slice %arg2[%dma_start3A_182, %dma_start3A_183] : memref<10240x128xf32, #tpu.memory_space<hbm>> -> memref<10240x128xf32, #tpu.memory_space<hbm>>
        tpu.enqueue_indirect_dma source(%dma_start3A_184 : memref<10240x128xf32, #tpu.memory_space<hbm>>) target(%arg16 : memref<64x128xf32, #tpu.memory_space<vmem>>) offsets(%arg8 : memref<64xi32, #tpu.memory_space<vmem>>) semaphore(%arg28 : memref<!tpu.dma_semaphore, #tpu.memory_space<semaphore_mem>>)
      } else {
      }
      %dma_wait3A_125 = arith.constant 0 : i32
      %dma_wait3A_126 = arith.constant 0 : i32
      %dma_wait3A_127 = tpu.memref_slice %arg2[%dma_wait3A_125, %dma_wait3A_126] : memref<10240x128xf32, #tpu.memory_space<hbm>> -> memref<10240x128xf32, #tpu.memory_space<hbm>>
      tpu.wait_indirect_dma semaphore(%arg29 : memref<!tpu.dma_semaphore, #tpu.memory_space<semaphore_mem>>) src(%dma_wait3A_127 : memref<10240x128xf32, #tpu.memory_space<hbm>>) dst(%arg17 : memref<64x128xf32, #tpu.memory_space<vmem>>)
      %sub3A_128 = arith.constant 1 : i32
      %sub3A_129 = arith.subi %select_n3A_11, %sub3A_128 : i32
      %lt3A_130 = arith.cmpi slt, %while3A_88, %sub3A_129 : i32
      %convert_element_type3A_131 = arith.extui %lt3A_130 : i1 to i32
      %cond3A_132 = arith.constant 0 : i32
      %cond3A_133 = arith.cmpi ne, %convert_element_type3A_131, %cond3A_132 : i32
      scf.if %cond3A_133 {
        %add3A_165 = arith.constant 1 : i32
        %add3A_166 = arith.addi %while3A_88, %add3A_165 : i32
        %mul3A_167 = arith.constant 4 : i32
        %mul3A_168 = arith.muli %add3A_166, %mul3A_167 : i32
        %add3A_169 = arith.constant 2 : i32
        %add3A_170 = arith.addi %mul3A_168, %add3A_169 : i32
        %mul3A_171 = arith.constant 64 : i32
        %mul3A_172 = arith.muli %add3A_170, %mul3A_171 : i32
        %add3A_173 = arith.addi %multiple_of3A, %mul3A_172 : i32
        %multiple_of3A_174 = tpu.assume_multiple %add3A_173, 8 : i32
        %dma_start3A_175 = tpu.memref_slice %arg3[%multiple_of3A_174] : memref<327680xi32, #tpu.memory_space<hbm>> -> memref<64xi32, #tpu.memory_space<hbm>>
        %dma_start3A_176 = tpu.memref_slice %arg3[%multiple_of3A_174] : memref<327680xi32, #tpu.memory_space<hbm>> -> memref<64xi32, #tpu.memory_space<hbm>>
        tpu.enqueue_dma source(%dma_start3A_176 : memref<64xi32, #tpu.memory_space<hbm>>) target(%arg9 : memref<64xi32, #tpu.memory_space<vmem>>) target_semaphore(%arg21 : memref<!tpu.dma_semaphore, #tpu.memory_space<semaphore_mem>>)
      } else {
      }
      %dma_wait3A_134 = tpu.memref_slice %arg4[%multiple_of3A] : memref<327680xi32, #tpu.memory_space<hbm>> -> memref<64xi32, #tpu.memory_space<hbm>>
      %dma_wait3A_135 = tpu.memref_slice %arg4[%multiple_of3A] : memref<327680xi32, #tpu.memory_space<hbm>> -> memref<64xi32, #tpu.memory_space<hbm>>
      tpu.wait_dma2 semaphore(%arg25 : memref<!tpu.dma_semaphore, #tpu.memory_space<semaphore_mem>>) src(%dma_wait3A_135 : memref<64xi32, #tpu.memory_space<hbm>>) dst(%arg13 : memref<64xi32, #tpu.memory_space<vmem>>)
      %dma_start3A_136 = arith.constant 0 : i32
      %dma_start3A_137 = arith.constant 0 : i32
      %dma_start3A_138 = tpu.memref_slice %arg35[%dma_start3A_136, %dma_start3A_137] : memref<10240x128xf32, #tpu.memory_space<vmem_shared>> -> memref<10240x128xf32, #tpu.memory_space<vmem_shared>>
      tpu.enqueue_indirect_dma source(%arg17 : memref<64x128xf32, #tpu.memory_space<vmem>>) target(%dma_start3A_138 : memref<10240x128xf32, #tpu.memory_space<vmem_shared>>) offsets(%arg13 : memref<64xi32, #tpu.memory_space<vmem>>) semaphore(%arg33 : memref<!tpu.dma_semaphore, #tpu.memory_space<semaphore_mem>>) {add = true}
      %sub3A_139 = arith.constant 1 : i32
      %sub3A_140 = arith.subi %select_n3A_11, %sub3A_139 : i32
      %lt3A_141 = arith.cmpi slt, %while3A_88, %sub3A_140 : i32
      %convert_element_type3A_142 = arith.extui %lt3A_141 : i1 to i32
      %cond3A_143 = arith.constant 0 : i32
      %cond3A_144 = arith.cmpi ne, %convert_element_type3A_142, %cond3A_143 : i32
      scf.if %cond3A_144 {
        %add3A_165 = arith.constant 1 : i32
        %add3A_166 = arith.addi %while3A_88, %add3A_165 : i32
        %mul3A_167 = arith.constant 4 : i32
        %mul3A_168 = arith.muli %add3A_166, %mul3A_167 : i32
        %add3A_169 = arith.constant 2 : i32
        %add3A_170 = arith.addi %mul3A_168, %add3A_169 : i32
        %mul3A_171 = arith.constant 64 : i32
        %mul3A_172 = arith.muli %add3A_170, %mul3A_171 : i32
        %add3A_173 = arith.addi %multiple_of3A, %mul3A_172 : i32
        %multiple_of3A_174 = tpu.assume_multiple %add3A_173, 8 : i32
        %dma_wait3A_175 = arith.constant 0 : i32
        %dma_wait3A_176 = arith.constant 0 : i32
        %dma_wait3A_177 = tpu.memref_slice %arg35[%dma_wait3A_175, %dma_wait3A_176] : memref<10240x128xf32, #tpu.memory_space<vmem_shared>> -> memref<10240x128xf32, #tpu.memory_space<vmem_shared>>
        tpu.wait_indirect_dma semaphore(%arg33 : memref<!tpu.dma_semaphore, #tpu.memory_space<semaphore_mem>>) src(%arg17 : memref<64x128xf32, #tpu.memory_space<vmem>>) dst(%dma_wait3A_177 : memref<10240x128xf32, #tpu.memory_space<vmem_shared>>)
        %dma_start3A_178 = tpu.memref_slice %arg4[%multiple_of3A_174] : memref<327680xi32, #tpu.memory_space<hbm>> -> memref<64xi32, #tpu.memory_space<hbm>>
        %dma_start3A_179 = tpu.memref_slice %arg4[%multiple_of3A_174] : memref<327680xi32, #tpu.memory_space<hbm>> -> memref<64xi32, #tpu.memory_space<hbm>>
        tpu.enqueue_dma source(%dma_start3A_179 : memref<64xi32, #tpu.memory_space<hbm>>) target(%arg13 : memref<64xi32, #tpu.memory_space<vmem>>) target_semaphore(%arg25 : memref<!tpu.dma_semaphore, #tpu.memory_space<semaphore_mem>>)
        %dma_wait3A_180 = tpu.memref_slice %arg3[%multiple_of3A] : memref<327680xi32, #tpu.memory_space<hbm>> -> memref<64xi32, #tpu.memory_space<hbm>>
        %dma_wait3A_181 = tpu.memref_slice %arg3[%multiple_of3A] : memref<327680xi32, #tpu.memory_space<hbm>> -> memref<64xi32, #tpu.memory_space<hbm>>
        tpu.wait_dma2 semaphore(%arg21 : memref<!tpu.dma_semaphore, #tpu.memory_space<semaphore_mem>>) src(%dma_wait3A_181 : memref<64xi32, #tpu.memory_space<hbm>>) dst(%arg9 : memref<64xi32, #tpu.memory_space<vmem>>)
        %dma_start3A_182 = arith.constant 0 : i32
        %dma_start3A_183 = arith.constant 0 : i32
        %dma_start3A_184 = tpu.memref_slice %arg2[%dma_start3A_182, %dma_start3A_183] : memref<10240x128xf32, #tpu.memory_space<hbm>> -> memref<10240x128xf32, #tpu.memory_space<hbm>>
        tpu.enqueue_indirect_dma source(%dma_start3A_184 : memref<10240x128xf32, #tpu.memory_space<hbm>>) target(%arg17 : memref<64x128xf32, #tpu.memory_space<vmem>>) offsets(%arg9 : memref<64xi32, #tpu.memory_space<vmem>>) semaphore(%arg29 : memref<!tpu.dma_semaphore, #tpu.memory_space<semaphore_mem>>)
      } else {
      }
      %dma_wait3A_145 = arith.constant 0 : i32
      %dma_wait3A_146 = arith.constant 0 : i32
      %dma_wait3A_147 = tpu.memref_slice %arg2[%dma_wait3A_145, %dma_wait3A_146] : memref<10240x128xf32, #tpu.memory_space<hbm>> -> memref<10240x128xf32, #tpu.memory_space<hbm>>
      tpu.wait_indirect_dma semaphore(%arg30 : memref<!tpu.dma_semaphore, #tpu.memory_space<semaphore_mem>>) src(%dma_wait3A_147 : memref<10240x128xf32, #tpu.memory_space<hbm>>) dst(%arg18 : memref<64x128xf32, #tpu.memory_space<vmem>>)
      %sub3A_148 = arith.constant 1 : i32
      %sub3A_149 = arith.subi %select_n3A_11, %sub3A_148 : i32
      %lt3A_150 = arith.cmpi slt, %while3A_88, %sub3A_149 : i32
      %convert_element_type3A_151 = arith.extui %lt3A_150 : i1 to i32
      %cond3A_152 = arith.constant 0 : i32
      %cond3A_153 = arith.cmpi ne, %convert_element_type3A_151, %cond3A_152 : i32
      scf.if %cond3A_153 {
        %add3A_165 = arith.constant 1 : i32
        %add3A_166 = arith.addi %while3A_88, %add3A_165 : i32
        %mul3A_167 = arith.constant 4 : i32
        %mul3A_168 = arith.muli %add3A_166, %mul3A_167 : i32
        %add3A_169 = arith.constant 3 : i32
        %add3A_170 = arith.addi %mul3A_168, %add3A_169 : i32
        %mul3A_171 = arith.constant 64 : i32
        %mul3A_172 = arith.muli %add3A_170, %mul3A_171 : i32
        %add3A_173 = arith.addi %multiple_of3A, %mul3A_172 : i32
        %multiple_of3A_174 = tpu.assume_multiple %add3A_173, 8 : i32
        %dma_start3A_175 = tpu.memref_slice %arg3[%multiple_of3A_174] : memref<327680xi32, #tpu.memory_space<hbm>> -> memref<64xi32, #tpu.memory_space<hbm>>
        %dma_start3A_176 = tpu.memref_slice %arg3[%multiple_of3A_174] : memref<327680xi32, #tpu.memory_space<hbm>> -> memref<64xi32, #tpu.memory_space<hbm>>
        tpu.enqueue_dma source(%dma_start3A_176 : memref<64xi32, #tpu.memory_space<hbm>>) target(%arg10 : memref<64xi32, #tpu.memory_space<vmem>>) target_semaphore(%arg22 : memref<!tpu.dma_semaphore, #tpu.memory_space<semaphore_mem>>)
      } else {
      }
      %dma_wait3A_154 = tpu.memref_slice %arg4[%multiple_of3A] : memref<327680xi32, #tpu.memory_space<hbm>> -> memref<64xi32, #tpu.memory_space<hbm>>
      %dma_wait3A_155 = tpu.memref_slice %arg4[%multiple_of3A] : memref<327680xi32, #tpu.memory_space<hbm>> -> memref<64xi32, #tpu.memory_space<hbm>>
      tpu.wait_dma2 semaphore(%arg26 : memref<!tpu.dma_semaphore, #tpu.memory_space<semaphore_mem>>) src(%dma_wait3A_155 : memref<64xi32, #tpu.memory_space<hbm>>) dst(%arg14 : memref<64xi32, #tpu.memory_space<vmem>>)
      %dma_start3A_156 = arith.constant 0 : i32
      %dma_start3A_157 = arith.constant 0 : i32
      %dma_start3A_158 = tpu.memref_slice %arg35[%dma_start3A_156, %dma_start3A_157] : memref<10240x128xf32, #tpu.memory_space<vmem_shared>> -> memref<10240x128xf32, #tpu.memory_space<vmem_shared>>
      tpu.enqueue_indirect_dma source(%arg18 : memref<64x128xf32, #tpu.memory_space<vmem>>) target(%dma_start3A_158 : memref<10240x128xf32, #tpu.memory_space<vmem_shared>>) offsets(%arg14 : memref<64xi32, #tpu.memory_space<vmem>>) semaphore(%arg34 : memref<!tpu.dma_semaphore, #tpu.memory_space<semaphore_mem>>) {add = true}
      %sub3A_159 = arith.constant 1 : i32
      %sub3A_160 = arith.subi %select_n3A_11, %sub3A_159 : i32
      %lt3A_161 = arith.cmpi slt, %while3A_88, %sub3A_160 : i32
      %convert_element_type3A_162 = arith.extui %lt3A_161 : i1 to i32
      %cond3A_163 = arith.constant 0 : i32
      %cond3A_164 = arith.cmpi ne, %convert_element_type3A_162, %cond3A_163 : i32
      scf.if %cond3A_164 {
        %add3A_165 = arith.constant 1 : i32
        %add3A_166 = arith.addi %while3A_88, %add3A_165 : i32
        %mul3A_167 = arith.constant 4 : i32
        %mul3A_168 = arith.muli %add3A_166, %mul3A_167 : i32
        %add3A_169 = arith.constant 3 : i32
        %add3A_170 = arith.addi %mul3A_168, %add3A_169 : i32
        %mul3A_171 = arith.constant 64 : i32
        %mul3A_172 = arith.muli %add3A_170, %mul3A_171 : i32
        %add3A_173 = arith.addi %multiple_of3A, %mul3A_172 : i32
        %multiple_of3A_174 = tpu.assume_multiple %add3A_173, 8 : i32
        %dma_wait3A_175 = arith.constant 0 : i32
        %dma_wait3A_176 = arith.constant 0 : i32
        %dma_wait3A_177 = tpu.memref_slice %arg35[%dma_wait3A_175, %dma_wait3A_176] : memref<10240x128xf32, #tpu.memory_space<vmem_shared>> -> memref<10240x128xf32, #tpu.memory_space<vmem_shared>>
        tpu.wait_indirect_dma semaphore(%arg34 : memref<!tpu.dma_semaphore, #tpu.memory_space<semaphore_mem>>) src(%arg18 : memref<64x128xf32, #tpu.memory_space<vmem>>) dst(%dma_wait3A_177 : memref<10240x128xf32, #tpu.memory_space<vmem_shared>>)
        %dma_start3A_178 = tpu.memref_slice %arg4[%multiple_of3A_174] : memref<327680xi32, #tpu.memory_space<hbm>> -> memref<64xi32, #tpu.memory_space<hbm>>
        %dma_start3A_179 = tpu.memref_slice %arg4[%multiple_of3A_174] : memref<327680xi32, #tpu.memory_space<hbm>> -> memref<64xi32, #tpu.memory_space<hbm>>
        tpu.enqueue_dma source(%dma_start3A_179 : memref<64xi32, #tpu.memory_space<hbm>>) target(%arg14 : memref<64xi32, #tpu.memory_space<vmem>>) target_semaphore(%arg26 : memref<!tpu.dma_semaphore, #tpu.memory_space<semaphore_mem>>)
        %dma_wait3A_180 = tpu.memref_slice %arg3[%multiple_of3A] : memref<327680xi32, #tpu.memory_space<hbm>> -> memref<64xi32, #tpu.memory_space<hbm>>
        %dma_wait3A_181 = tpu.memref_slice %arg3[%multiple_of3A] : memref<327680xi32, #tpu.memory_space<hbm>> -> memref<64xi32, #tpu.memory_space<hbm>>
        tpu.wait_dma2 semaphore(%arg22 : memref<!tpu.dma_semaphore, #tpu.memory_space<semaphore_mem>>) src(%dma_wait3A_181 : memref<64xi32, #tpu.memory_space<hbm>>) dst(%arg10 : memref<64xi32, #tpu.memory_space<vmem>>)
        %dma_start3A_182 = arith.constant 0 : i32
        %dma_start3A_183 = arith.constant 0 : i32
        %dma_start3A_184 = tpu.memref_slice %arg2[%dma_start3A_182, %dma_start3A_183] : memref<10240x128xf32, #tpu.memory_space<hbm>> -> memref<10240x128xf32, #tpu.memory_space<hbm>>
        tpu.enqueue_indirect_dma source(%dma_start3A_184 : memref<10240x128xf32, #tpu.memory_space<hbm>>) target(%arg18 : memref<64x128xf32, #tpu.memory_space<vmem>>) offsets(%arg10 : memref<64xi32, #tpu.memory_space<vmem>>) semaphore(%arg30 : memref<!tpu.dma_semaphore, #tpu.memory_space<semaphore_mem>>)
      } else {
      }
    }
    %while3A_70 = arith.constant 1 : i32
    scf.for %while3A_88 = %while3A_68 to %while3A_64 step %while3A_70  : i32 {
      %dma_wait3A_89 = arith.constant 0 : i32
      %dma_wait3A_90 = arith.constant 0 : i32
      %dma_wait3A_91 = tpu.memref_slice %arg2[%dma_wait3A_89, %dma_wait3A_90] : memref<10240x128xf32, #tpu.memory_space<hbm>> -> memref<10240x128xf32, #tpu.memory_space<hbm>>
      tpu.wait_indirect_dma semaphore(%arg27 : memref<!tpu.dma_semaphore, #tpu.memory_space<semaphore_mem>>) src(%dma_wait3A_91 : memref<10240x128xf32, #tpu.memory_space<hbm>>) dst(%arg15 : memref<64x128xf32, #tpu.memory_space<vmem>>)
      %sub3A = arith.constant 1 : i32
      %sub3A_92 = arith.subi %select_n3A_11, %sub3A : i32
      %lt3A = arith.cmpi slt, %while3A_88, %sub3A_92 : i32
      %convert_element_type3A = arith.extui %lt3A : i1 to i32
      %cond3A = arith.constant 0 : i32
      %cond3A_93 = arith.cmpi ne, %convert_element_type3A, %cond3A : i32
      scf.if %cond3A_93 {
        %add3A_165 = arith.constant 1 : i32
        %add3A_166 = arith.addi %while3A_88, %add3A_165 : i32
        %mul3A_167 = arith.constant 4 : i32
        %mul3A_168 = arith.muli %add3A_166, %mul3A_167 : i32
        %add3A_169 = arith.constant 0 : i32
        %add3A_170 = arith.addi %mul3A_168, %add3A_169 : i32
        %mul3A_171 = arith.constant 64 : i32
        %mul3A_172 = arith.muli %add3A_170, %mul3A_171 : i32
        %add3A_173 = arith.addi %multiple_of3A, %mul3A_172 : i32
        %multiple_of3A_174 = tpu.assume_multiple %add3A_173, 8 : i32
        %dma_start3A_175 = tpu.memref_slice %arg3[%multiple_of3A_174] : memref<327680xi32, #tpu.memory_space<hbm>> -> memref<64xi32, #tpu.memory_space<hbm>>
        %dma_start3A_176 = tpu.memref_slice %arg3[%multiple_of3A_174] : memref<327680xi32, #tpu.memory_space<hbm>> -> memref<64xi32, #tpu.memory_space<hbm>>
        tpu.enqueue_dma source(%dma_start3A_176 : memref<64xi32, #tpu.memory_space<hbm>>) target(%arg7 : memref<64xi32, #tpu.memory_space<vmem>>) target_semaphore(%arg19 : memref<!tpu.dma_semaphore, #tpu.memory_space<semaphore_mem>>)
      } else {
      }
      %dma_wait3A_94 = tpu.memref_slice %arg4[%multiple_of3A] : memref<327680xi32, #tpu.memory_space<hbm>> -> memref<64xi32, #tpu.memory_space<hbm>>
      %dma_wait3A_95 = tpu.memref_slice %arg4[%multiple_of3A] : memref<327680xi32, #tpu.memory_space<hbm>> -> memref<64xi32, #tpu.memory_space<hbm>>
      tpu.wait_dma2 semaphore(%arg23 : memref<!tpu.dma_semaphore, #tpu.memory_space<semaphore_mem>>) src(%dma_wait3A_95 : memref<64xi32, #tpu.memory_space<hbm>>) dst(%arg11 : memref<64xi32, #tpu.memory_space<vmem>>)
      %dma_start3A_96 = arith.constant 0 : i32
      %dma_start3A_97 = arith.constant 0 : i32
      %dma_start3A_98 = tpu.memref_slice %arg35[%dma_start3A_96, %dma_start3A_97] : memref<10240x128xf32, #tpu.memory_space<vmem_shared>> -> memref<10240x128xf32, #tpu.memory_space<vmem_shared>>
      tpu.enqueue_indirect_dma source(%arg15 : memref<64x128xf32, #tpu.memory_space<vmem>>) target(%dma_start3A_98 : memref<10240x128xf32, #tpu.memory_space<vmem_shared>>) offsets(%arg11 : memref<64xi32, #tpu.memory_space<vmem>>) semaphore(%arg31 : memref<!tpu.dma_semaphore, #tpu.memory_space<semaphore_mem>>) {add = true}
      %sub3A_99 = arith.constant 1 : i32
      %sub3A_100 = arith.subi %select_n3A_11, %sub3A_99 : i32
      %lt3A_101 = arith.cmpi slt, %while3A_88, %sub3A_100 : i32
      %convert_element_type3A_102 = arith.extui %lt3A_101 : i1 to i32
      %cond3A_103 = arith.constant 0 : i32
      %cond3A_104 = arith.cmpi ne, %convert_element_type3A_102, %cond3A_103 : i32
      scf.if %cond3A_104 {
        %add3A_165 = arith.constant 1 : i32
        %add3A_166 = arith.addi %while3A_88, %add3A_165 : i32
        %mul3A_167 = arith.constant 4 : i32
        %mul3A_168 = arith.muli %add3A_166, %mul3A_167 : i32
        %add3A_169 = arith.constant 0 : i32
        %add3A_170 = arith.addi %mul3A_168, %add3A_169 : i32
        %mul3A_171 = arith.constant 64 : i32
        %mul3A_172 = arith.muli %add3A_170, %mul3A_171 : i32
        %add3A_173 = arith.addi %multiple_of3A, %mul3A_172 : i32
        %multiple_of3A_174 = tpu.assume_multiple %add3A_173, 8 : i32
        %dma_wait3A_175 = arith.constant 0 : i32
        %dma_wait3A_176 = arith.constant 0 : i32
        %dma_wait3A_177 = tpu.memref_slice %arg35[%dma_wait3A_175, %dma_wait3A_176] : memref<10240x128xf32, #tpu.memory_space<vmem_shared>> -> memref<10240x128xf32, #tpu.memory_space<vmem_shared>>
        tpu.wait_indirect_dma semaphore(%arg31 : memref<!tpu.dma_semaphore, #tpu.memory_space<semaphore_mem>>) src(%arg15 : memref<64x128xf32, #tpu.memory_space<vmem>>) dst(%dma_wait3A_177 : memref<10240x128xf32, #tpu.memory_space<vmem_shared>>)
        %dma_start3A_178 = tpu.memref_slice %arg4[%multiple_of3A_174] : memref<327680xi32, #tpu.memory_space<hbm>> -> memref<64xi32, #tpu.memory_space<hbm>>
        %dma_start3A_179 = tpu.memref_slice %arg4[%multiple_of3A_174] : memref<327680xi32, #tpu.memory_space<hbm>> -> memref<64xi32, #tpu.memory_space<hbm>>
        tpu.enqueue_dma source(%dma_start3A_179 : memref<64xi32, #tpu.memory_space<hbm>>) target(%arg11 : memref<64xi32, #tpu.memory_space<vmem>>) target_semaphore(%arg23 : memref<!tpu.dma_semaphore, #tpu.memory_space<semaphore_mem>>)
        %dma_wait3A_180 = tpu.memref_slice %arg3[%multiple_of3A] : memref<327680xi32, #tpu.memory_space<hbm>> -> memref<64xi32, #tpu.memory_space<hbm>>
        %dma_wait3A_181 = tpu.memref_slice %arg3[%multiple_of3A] : memref<327680xi32, #tpu.memory_space<hbm>> -> memref<64xi32, #tpu.memory_space<hbm>>
        tpu.wait_dma2 semaphore(%arg19 : memref<!tpu.dma_semaphore, #tpu.memory_space<semaphore_mem>>) src(%dma_wait3A_181 : memref<64xi32, #tpu.memory_space<hbm>>) dst(%arg7 : memref<64xi32, #tpu.memory_space<vmem>>)
        %dma_start3A_182 = arith.constant 0 : i32
        %dma_start3A_183 = arith.constant 0 : i32
        %dma_start3A_184 = tpu.memref_slice %arg2[%dma_start3A_182, %dma_start3A_183] : memref<10240x128xf32, #tpu.memory_space<hbm>> -> memref<10240x128xf32, #tpu.memory_space<hbm>>
        tpu.enqueue_indirect_dma source(%dma_start3A_184 : memref<10240x128xf32, #tpu.memory_space<hbm>>) target(%arg15 : memref<64x128xf32, #tpu.memory_space<vmem>>) offsets(%arg7 : memref<64xi32, #tpu.memory_space<vmem>>) semaphore(%arg27 : memref<!tpu.dma_semaphore, #tpu.memory_space<semaphore_mem>>)
      } else {
      }
      %dma_wait3A_105 = arith.constant 0 : i32
      %dma_wait3A_106 = arith.constant 0 : i32
      %dma_wait3A_107 = tpu.memref_slice %arg2[%dma_wait3A_105, %dma_wait3A_106] : memref<10240x128xf32, #tpu.memory_space<hbm>> -> memref<10240x128xf32, #tpu.memory_space<hbm>>
      tpu.wait_indirect_dma semaphore(%arg28 : memref<!tpu.dma_semaphore, #tpu.memory_space<semaphore_mem>>) src(%dma_wait3A_107 : memref<10240x128xf32, #tpu.memory_space<hbm>>) dst(%arg16 : memref<64x128xf32, #tpu.memory_space<vmem>>)
      %sub3A_108 = arith.constant 1 : i32
      %sub3A_109 = arith.subi %select_n3A_11, %sub3A_108 : i32
      %lt3A_110 = arith.cmpi slt, %while3A_88, %sub3A_109 : i32
      %convert_element_type3A_111 = arith.extui %lt3A_110 : i1 to i32
      %cond3A_112 = arith.constant 0 : i32
      %cond3A_113 = arith.cmpi ne, %convert_element_type3A_111, %cond3A_112 : i32
      scf.if %cond3A_113 {
        %add3A_165 = arith.constant 1 : i32
        %add3A_166 = arith.addi %while3A_88, %add3A_165 : i32
        %mul3A_167 = arith.constant 4 : i32
        %mul3A_168 = arith.muli %add3A_166, %mul3A_167 : i32
        %add3A_169 = arith.constant 1 : i32
        %add3A_170 = arith.addi %mul3A_168, %add3A_169 : i32
        %mul3A_171 = arith.constant 64 : i32
        %mul3A_172 = arith.muli %add3A_170, %mul3A_171 : i32
        %add3A_173 = arith.addi %multiple_of3A, %mul3A_172 : i32
        %multiple_of3A_174 = tpu.assume_multiple %add3A_173, 8 : i32
        %dma_start3A_175 = tpu.memref_slice %arg3[%multiple_of3A_174] : memref<327680xi32, #tpu.memory_space<hbm>> -> memref<64xi32, #tpu.memory_space<hbm>>
        %dma_start3A_176 = tpu.memref_slice %arg3[%multiple_of3A_174] : memref<327680xi32, #tpu.memory_space<hbm>> -> memref<64xi32, #tpu.memory_space<hbm>>
        tpu.enqueue_dma source(%dma_start3A_176 : memref<64xi32, #tpu.memory_space<hbm>>) target(%arg8 : memref<64xi32, #tpu.memory_space<vmem>>) target_semaphore(%arg20 : memref<!tpu.dma_semaphore, #tpu.memory_space<semaphore_mem>>)
      } else {
      }
      %dma_wait3A_114 = tpu.memref_slice %arg4[%multiple_of3A] : memref<327680xi32, #tpu.memory_space<hbm>> -> memref<64xi32, #tpu.memory_space<hbm>>
      %dma_wait3A_115 = tpu.memref_slice %arg4[%multiple_of3A] : memref<327680xi32, #tpu.memory_space<hbm>> -> memref<64xi32, #tpu.memory_space<hbm>>
      tpu.wait_dma2 semaphore(%arg24 : memref<!tpu.dma_semaphore, #tpu.memory_space<semaphore_mem>>) src(%dma_wait3A_115 : memref<64xi32, #tpu.memory_space<hbm>>) dst(%arg12 : memref<64xi32, #tpu.memory_space<vmem>>)
      %dma_start3A_116 = arith.constant 0 : i32
      %dma_start3A_117 = arith.constant 0 : i32
      %dma_start3A_118 = tpu.memref_slice %arg35[%dma_start3A_116, %dma_start3A_117] : memref<10240x128xf32, #tpu.memory_space<vmem_shared>> -> memref<10240x128xf32, #tpu.memory_space<vmem_shared>>
      tpu.enqueue_indirect_dma source(%arg16 : memref<64x128xf32, #tpu.memory_space<vmem>>) target(%dma_start3A_118 : memref<10240x128xf32, #tpu.memory_space<vmem_shared>>) offsets(%arg12 : memref<64xi32, #tpu.memory_space<vmem>>) semaphore(%arg32 : memref<!tpu.dma_semaphore, #tpu.memory_space<semaphore_mem>>) {add = true}
      %sub3A_119 = arith.constant 1 : i32
      %sub3A_120 = arith.subi %select_n3A_11, %sub3A_119 : i32
      %lt3A_121 = arith.cmpi slt, %while3A_88, %sub3A_120 : i32
      %convert_element_type3A_122 = arith.extui %lt3A_121 : i1 to i32
      %cond3A_123 = arith.constant 0 : i32
      %cond3A_124 = arith.cmpi ne, %convert_element_type3A_122, %cond3A_123 : i32
      scf.if %cond3A_124 {
        %add3A_165 = arith.constant 1 : i32
        %add3A_166 = arith.addi %while3A_88, %add3A_165 : i32
        %mul3A_167 = arith.constant 4 : i32
        %mul3A_168 = arith.muli %add3A_166, %mul3A_167 : i32
        %add3A_169 = arith.constant 1 : i32
        %add3A_170 = arith.addi %mul3A_168, %add3A_169 : i32
        %mul3A_171 = arith.constant 64 : i32
        %mul3A_172 = arith.muli %add3A_170, %mul3A_171 : i32
        %add3A_173 = arith.addi %multiple_of3A, %mul3A_172 : i32
        %multiple_of3A_174 = tpu.assume_multiple %add3A_173, 8 : i32
        %dma_wait3A_175 = arith.constant 0 : i32
        %dma_wait3A_176 = arith.constant 0 : i32
        %dma_wait3A_177 = tpu.memref_slice %arg35[%dma_wait3A_175, %dma_wait3A_176] : memref<10240x128xf32, #tpu.memory_space<vmem_shared>> -> memref<10240x128xf32, #tpu.memory_space<vmem_shared>>
        tpu.wait_indirect_dma semaphore(%arg32 : memref<!tpu.dma_semaphore, #tpu.memory_space<semaphore_mem>>) src(%arg16 : memref<64x128xf32, #tpu.memory_space<vmem>>) dst(%dma_wait3A_177 : memref<10240x128xf32, #tpu.memory_space<vmem_shared>>)
        %dma_start3A_178 = tpu.memref_slice %arg4[%multiple_of3A_174] : memref<327680xi32, #tpu.memory_space<hbm>> -> memref<64xi32, #tpu.memory_space<hbm>>
        %dma_start3A_179 = tpu.memref_slice %arg4[%multiple_of3A_174] : memref<327680xi32, #tpu.memory_space<hbm>> -> memref<64xi32, #tpu.memory_space<hbm>>
        tpu.enqueue_dma source(%dma_start3A_179 : memref<64xi32, #tpu.memory_space<hbm>>) target(%arg12 : memref<64xi32, #tpu.memory_space<vmem>>) target_semaphore(%arg24 : memref<!tpu.dma_semaphore, #tpu.memory_space<semaphore_mem>>)
        %dma_wait3A_180 = tpu.memref_slice %arg3[%multiple_of3A] : memref<327680xi32, #tpu.memory_space<hbm>> -> memref<64xi32, #tpu.memory_space<hbm>>
        %dma_wait3A_181 = tpu.memref_slice %arg3[%multiple_of3A] : memref<327680xi32, #tpu.memory_space<hbm>> -> memref<64xi32, #tpu.memory_space<hbm>>
        tpu.wait_dma2 semaphore(%arg20 : memref<!tpu.dma_semaphore, #tpu.memory_space<semaphore_mem>>) src(%dma_wait3A_181 : memref<64xi32, #tpu.memory_space<hbm>>) dst(%arg8 : memref<64xi32, #tpu.memory_space<vmem>>)
        %dma_start3A_182 = arith.constant 0 : i32
        %dma_start3A_183 = arith.constant 0 : i32
        %dma_start3A_184 = tpu.memref_slice %arg2[%dma_start3A_182, %dma_start3A_183] : memref<10240x128xf32, #tpu.memory_space<hbm>> -> memref<10240x128xf32, #tpu.memory_space<hbm>>
        tpu.enqueue_indirect_dma source(%dma_start3A_184 : memref<10240x128xf32, #tpu.memory_space<hbm>>) target(%arg16 : memref<64x128xf32, #tpu.memory_space<vmem>>) offsets(%arg8 : memref<64xi32, #tpu.memory_space<vmem>>) semaphore(%arg28 : memref<!tpu.dma_semaphore, #tpu.memory_space<semaphore_mem>>)
      } else {
      }
      %dma_wait3A_125 = arith.constant 0 : i32
      %dma_wait3A_126 = arith.constant 0 : i32
      %dma_wait3A_127 = tpu.memref_slice %arg2[%dma_wait3A_125, %dma_wait3A_126] : memref<10240x128xf32, #tpu.memory_space<hbm>> -> memref<10240x128xf32, #tpu.memory_space<hbm>>
      tpu.wait_indirect_dma semaphore(%arg29 : memref<!tpu.dma_semaphore, #tpu.memory_space<semaphore_mem>>) src(%dma_wait3A_127 : memref<10240x128xf32, #tpu.memory_space<hbm>>) dst(%arg17 : memref<64x128xf32, #tpu.memory_space<vmem>>)
      %sub3A_128 = arith.constant 1 : i32
      %sub3A_129 = arith.subi %select_n3A_11, %sub3A_128 : i32
      %lt3A_130 = arith.cmpi slt, %while3A_88, %sub3A_129 : i32
      %convert_element_type3A_131 = arith.extui %lt3A_130 : i1 to i32
      %cond3A_132 = arith.constant 0 : i32
      %cond3A_133 = arith.cmpi ne, %convert_element_type3A_131, %cond3A_132 : i32
      scf.if %cond3A_133 {
        %add3A_165 = arith.constant 1 : i32
        %add3A_166 = arith.addi %while3A_88, %add3A_165 : i32
        %mul3A_167 = arith.constant 4 : i32
        %mul3A_168 = arith.muli %add3A_166, %mul3A_167 : i32
        %add3A_169 = arith.constant 2 : i32
        %add3A_170 = arith.addi %mul3A_168, %add3A_169 : i32
        %mul3A_171 = arith.constant 64 : i32
        %mul3A_172 = arith.muli %add3A_170, %mul3A_171 : i32
        %add3A_173 = arith.addi %multiple_of3A, %mul3A_172 : i32
        %multiple_of3A_174 = tpu.assume_multiple %add3A_173, 8 : i32
        %dma_start3A_175 = tpu.memref_slice %arg3[%multiple_of3A_174] : memref<327680xi32, #tpu.memory_space<hbm>> -> memref<64xi32, #tpu.memory_space<hbm>>
        %dma_start3A_176 = tpu.memref_slice %arg3[%multiple_of3A_174] : memref<327680xi32, #tpu.memory_space<hbm>> -> memref<64xi32, #tpu.memory_space<hbm>>
        tpu.enqueue_dma source(%dma_start3A_176 : memref<64xi32, #tpu.memory_space<hbm>>) target(%arg9 : memref<64xi32, #tpu.memory_space<vmem>>) target_semaphore(%arg21 : memref<!tpu.dma_semaphore, #tpu.memory_space<semaphore_mem>>)
      } else {
      }
      %dma_wait3A_134 = tpu.memref_slice %arg4[%multiple_of3A] : memref<327680xi32, #tpu.memory_space<hbm>> -> memref<64xi32, #tpu.memory_space<hbm>>
      %dma_wait3A_135 = tpu.memref_slice %arg4[%multiple_of3A] : memref<327680xi32, #tpu.memory_space<hbm>> -> memref<64xi32, #tpu.memory_space<hbm>>
      tpu.wait_dma2 semaphore(%arg25 : memref<!tpu.dma_semaphore, #tpu.memory_space<semaphore_mem>>) src(%dma_wait3A_135 : memref<64xi32, #tpu.memory_space<hbm>>) dst(%arg13 : memref<64xi32, #tpu.memory_space<vmem>>)
      %dma_start3A_136 = arith.constant 0 : i32
      %dma_start3A_137 = arith.constant 0 : i32
      %dma_start3A_138 = tpu.memref_slice %arg35[%dma_start3A_136, %dma_start3A_137] : memref<10240x128xf32, #tpu.memory_space<vmem_shared>> -> memref<10240x128xf32, #tpu.memory_space<vmem_shared>>
      tpu.enqueue_indirect_dma source(%arg17 : memref<64x128xf32, #tpu.memory_space<vmem>>) target(%dma_start3A_138 : memref<10240x128xf32, #tpu.memory_space<vmem_shared>>) offsets(%arg13 : memref<64xi32, #tpu.memory_space<vmem>>) semaphore(%arg33 : memref<!tpu.dma_semaphore, #tpu.memory_space<semaphore_mem>>) {add = true}
      %sub3A_139 = arith.constant 1 : i32
      %sub3A_140 = arith.subi %select_n3A_11, %sub3A_139 : i32
      %lt3A_141 = arith.cmpi slt, %while3A_88, %sub3A_140 : i32
      %convert_element_type3A_142 = arith.extui %lt3A_141 : i1 to i32
      %cond3A_143 = arith.constant 0 : i32
      %cond3A_144 = arith.cmpi ne, %convert_element_type3A_142, %cond3A_143 : i32
      scf.if %cond3A_144 {
        %add3A_165 = arith.constant 1 : i32
        %add3A_166 = arith.addi %while3A_88, %add3A_165 : i32
        %mul3A_167 = arith.constant 4 : i32
        %mul3A_168 = arith.muli %add3A_166, %mul3A_167 : i32
        %add3A_169 = arith.constant 2 : i32
        %add3A_170 = arith.addi %mul3A_168, %add3A_169 : i32
        %mul3A_171 = arith.constant 64 : i32
        %mul3A_172 = arith.muli %add3A_170, %mul3A_171 : i32
        %add3A_173 = arith.addi %multiple_of3A, %mul3A_172 : i32
        %multiple_of3A_174 = tpu.assume_multiple %add3A_173, 8 : i32
        %dma_wait3A_175 = arith.constant 0 : i32
        %dma_wait3A_176 = arith.constant 0 : i32
        %dma_wait3A_177 = tpu.memref_slice %arg35[%dma_wait3A_175, %dma_wait3A_176] : memref<10240x128xf32, #tpu.memory_space<vmem_shared>> -> memref<10240x128xf32, #tpu.memory_space<vmem_shared>>
        tpu.wait_indirect_dma semaphore(%arg33 : memref<!tpu.dma_semaphore, #tpu.memory_space<semaphore_mem>>) src(%arg17 : memref<64x128xf32, #tpu.memory_space<vmem>>) dst(%dma_wait3A_177 : memref<10240x128xf32, #tpu.memory_space<vmem_shared>>)
        %dma_start3A_178 = tpu.memref_slice %arg4[%multiple_of3A_174] : memref<327680xi32, #tpu.memory_space<hbm>> -> memref<64xi32, #tpu.memory_space<hbm>>
        %dma_start3A_179 = tpu.memref_slice %arg4[%multiple_of3A_174] : memref<327680xi32, #tpu.memory_space<hbm>> -> memref<64xi32, #tpu.memory_space<hbm>>
        tpu.enqueue_dma source(%dma_start3A_179 : memref<64xi32, #tpu.memory_space<hbm>>) target(%arg13 : memref<64xi32, #tpu.memory_space<vmem>>) target_semaphore(%arg25 : memref<!tpu.dma_semaphore, #tpu.memory_space<semaphore_mem>>)
        %dma_wait3A_180 = tpu.memref_slice %arg3[%multiple_of3A] : memref<327680xi32, #tpu.memory_space<hbm>> -> memref<64xi32, #tpu.memory_space<hbm>>
        %dma_wait3A_181 = tpu.memref_slice %arg3[%multiple_of3A] : memref<327680xi32, #tpu.memory_space<hbm>> -> memref<64xi32, #tpu.memory_space<hbm>>
        tpu.wait_dma2 semaphore(%arg21 : memref<!tpu.dma_semaphore, #tpu.memory_space<semaphore_mem>>) src(%dma_wait3A_181 : memref<64xi32, #tpu.memory_space<hbm>>) dst(%arg9 : memref<64xi32, #tpu.memory_space<vmem>>)
        %dma_start3A_182 = arith.constant 0 : i32
        %dma_start3A_183 = arith.constant 0 : i32
        %dma_start3A_184 = tpu.memref_slice %arg2[%dma_start3A_182, %dma_start3A_183] : memref<10240x128xf32, #tpu.memory_space<hbm>> -> memref<10240x128xf32, #tpu.memory_space<hbm>>
        tpu.enqueue_indirect_dma source(%dma_start3A_184 : memref<10240x128xf32, #tpu.memory_space<hbm>>) target(%arg17 : memref<64x128xf32, #tpu.memory_space<vmem>>) offsets(%arg9 : memref<64xi32, #tpu.memory_space<vmem>>) semaphore(%arg29 : memref<!tpu.dma_semaphore, #tpu.memory_space<semaphore_mem>>)
      } else {
      }
      %dma_wait3A_145 = arith.constant 0 : i32
      %dma_wait3A_146 = arith.constant 0 : i32
      %dma_wait3A_147 = tpu.memref_slice %arg2[%dma_wait3A_145, %dma_wait3A_146] : memref<10240x128xf32, #tpu.memory_space<hbm>> -> memref<10240x128xf32, #tpu.memory_space<hbm>>
      tpu.wait_indirect_dma semaphore(%arg30 : memref<!tpu.dma_semaphore, #tpu.memory_space<semaphore_mem>>) src(%dma_wait3A_147 : memref<10240x128xf32, #tpu.memory_space<hbm>>) dst(%arg18 : memref<64x128xf32, #tpu.memory_space<vmem>>)
      %sub3A_148 = arith.constant 1 : i32
      %sub3A_149 = arith.subi %select_n3A_11, %sub3A_148 : i32
      %lt3A_150 = arith.cmpi slt, %while3A_88, %sub3A_149 : i32
      %convert_element_type3A_151 = arith.extui %lt3A_150 : i1 to i32
      %cond3A_152 = arith.constant 0 : i32
      %cond3A_153 = arith.cmpi ne, %convert_element_type3A_151, %cond3A_152 : i32
      scf.if %cond3A_153 {
        %add3A_165 = arith.constant 1 : i32
        %add3A_166 = arith.addi %while3A_88, %add3A_165 : i32
        %mul3A_167 = arith.constant 4 : i32
        %mul3A_168 = arith.muli %add3A_166, %mul3A_167 : i32
        %add3A_169 = arith.constant 3 : i32
        %add3A_170 = arith.addi %mul3A_168, %add3A_169 : i32
        %mul3A_171 = arith.constant 64 : i32
        %mul3A_172 = arith.muli %add3A_170, %mul3A_171 : i32
        %add3A_173 = arith.addi %multiple_of3A, %mul3A_172 : i32
        %multiple_of3A_174 = tpu.assume_multiple %add3A_173, 8 : i32
        %dma_start3A_175 = tpu.memref_slice %arg3[%multiple_of3A_174] : memref<327680xi32, #tpu.memory_space<hbm>> -> memref<64xi32, #tpu.memory_space<hbm>>
        %dma_start3A_176 = tpu.memref_slice %arg3[%multiple_of3A_174] : memref<327680xi32, #tpu.memory_space<hbm>> -> memref<64xi32, #tpu.memory_space<hbm>>
        tpu.enqueue_dma source(%dma_start3A_176 : memref<64xi32, #tpu.memory_space<hbm>>) target(%arg10 : memref<64xi32, #tpu.memory_space<vmem>>) target_semaphore(%arg22 : memref<!tpu.dma_semaphore, #tpu.memory_space<semaphore_mem>>)
      } else {
      }
      %dma_wait3A_154 = tpu.memref_slice %arg4[%multiple_of3A] : memref<327680xi32, #tpu.memory_space<hbm>> -> memref<64xi32, #tpu.memory_space<hbm>>
      %dma_wait3A_155 = tpu.memref_slice %arg4[%multiple_of3A] : memref<327680xi32, #tpu.memory_space<hbm>> -> memref<64xi32, #tpu.memory_space<hbm>>
      tpu.wait_dma2 semaphore(%arg26 : memref<!tpu.dma_semaphore, #tpu.memory_space<semaphore_mem>>) src(%dma_wait3A_155 : memref<64xi32, #tpu.memory_space<hbm>>) dst(%arg14 : memref<64xi32, #tpu.memory_space<vmem>>)
      %dma_start3A_156 = arith.constant 0 : i32
      %dma_start3A_157 = arith.constant 0 : i32
      %dma_start3A_158 = tpu.memref_slice %arg35[%dma_start3A_156, %dma_start3A_157] : memref<10240x128xf32, #tpu.memory_space<vmem_shared>> -> memref<10240x128xf32, #tpu.memory_space<vmem_shared>>
      tpu.enqueue_indirect_dma source(%arg18 : memref<64x128xf32, #tpu.memory_space<vmem>>) target(%dma_start3A_158 : memref<10240x128xf32, #tpu.memory_space<vmem_shared>>) offsets(%arg14 : memref<64xi32, #tpu.memory_space<vmem>>) semaphore(%arg34 : memref<!tpu.dma_semaphore, #tpu.memory_space<semaphore_mem>>) {add = true}
      %sub3A_159 = arith.constant 1 : i32
      %sub3A_160 = arith.subi %select_n3A_11, %sub3A_159 : i32
      %lt3A_161 = arith.cmpi slt, %while3A_88, %sub3A_160 : i32
      %convert_element_type3A_162 = arith.extui %lt3A_161 : i1 to i32
      %cond3A_163 = arith.constant 0 : i32
      %cond3A_164 = arith.cmpi ne, %convert_element_type3A_162, %cond3A_163 : i32
      scf.if %cond3A_164 {
        %add3A_165 = arith.constant 1 : i32
        %add3A_166 = arith.addi %while3A_88, %add3A_165 : i32
        %mul3A_167 = arith.constant 4 : i32
        %mul3A_168 = arith.muli %add3A_166, %mul3A_167 : i32
        %add3A_169 = arith.constant 3 : i32
        %add3A_170 = arith.addi %mul3A_168, %add3A_169 : i32
        %mul3A_171 = arith.constant 64 : i32
        %mul3A_172 = arith.muli %add3A_170, %mul3A_171 : i32
        %add3A_173 = arith.addi %multiple_of3A, %mul3A_172 : i32
        %multiple_of3A_174 = tpu.assume_multiple %add3A_173, 8 : i32
        %dma_wait3A_175 = arith.constant 0 : i32
        %dma_wait3A_176 = arith.constant 0 : i32
        %dma_wait3A_177 = tpu.memref_slice %arg35[%dma_wait3A_175, %dma_wait3A_176] : memref<10240x128xf32, #tpu.memory_space<vmem_shared>> -> memref<10240x128xf32, #tpu.memory_space<vmem_shared>>
        tpu.wait_indirect_dma semaphore(%arg34 : memref<!tpu.dma_semaphore, #tpu.memory_space<semaphore_mem>>) src(%arg18 : memref<64x128xf32, #tpu.memory_space<vmem>>) dst(%dma_wait3A_177 : memref<10240x128xf32, #tpu.memory_space<vmem_shared>>)
        %dma_start3A_178 = tpu.memref_slice %arg4[%multiple_of3A_174] : memref<327680xi32, #tpu.memory_space<hbm>> -> memref<64xi32, #tpu.memory_space<hbm>>
        %dma_start3A_179 = tpu.memref_slice %arg4[%multiple_of3A_174] : memref<327680xi32, #tpu.memory_space<hbm>> -> memref<64xi32, #tpu.memory_space<hbm>>
        tpu.enqueue_dma source(%dma_start3A_179 : memref<64xi32, #tpu.memory_space<hbm>>) target(%arg14 : memref<64xi32, #tpu.memory_space<vmem>>) target_semaphore(%arg26 : memref<!tpu.dma_semaphore, #tpu.memory_space<semaphore_mem>>)
        %dma_wait3A_180 = tpu.memref_slice %arg3[%multiple_of3A] : memref<327680xi32, #tpu.memory_space<hbm>> -> memref<64xi32, #tpu.memory_space<hbm>>
        %dma_wait3A_181 = tpu.memref_slice %arg3[%multiple_of3A] : memref<327680xi32, #tpu.memory_space<hbm>> -> memref<64xi32, #tpu.memory_space<hbm>>
        tpu.wait_dma2 semaphore(%arg22 : memref<!tpu.dma_semaphore, #tpu.memory_space<semaphore_mem>>) src(%dma_wait3A_181 : memref<64xi32, #tpu.memory_space<hbm>>) dst(%arg10 : memref<64xi32, #tpu.memory_space<vmem>>)
        %dma_start3A_182 = arith.constant 0 : i32
        %dma_start3A_183 = arith.constant 0 : i32
        %dma_start3A_184 = tpu.memref_slice %arg2[%dma_start3A_182, %dma_start3A_183] : memref<10240x128xf32, #tpu.memory_space<hbm>> -> memref<10240x128xf32, #tpu.memory_space<hbm>>
        tpu.enqueue_indirect_dma source(%dma_start3A_184 : memref<10240x128xf32, #tpu.memory_space<hbm>>) target(%arg18 : memref<64x128xf32, #tpu.memory_space<vmem>>) offsets(%arg10 : memref<64xi32, #tpu.memory_space<vmem>>) semaphore(%arg30 : memref<!tpu.dma_semaphore, #tpu.memory_space<semaphore_mem>>)
      } else {
      }
    }
    %dma_wait3A_71 = arith.constant 0 : i32
    %dma_wait3A_72 = arith.constant 0 : i32
    %dma_wait3A_73 = tpu.memref_slice %arg35[%dma_wait3A_71, %dma_wait3A_72] : memref<10240x128xf32, #tpu.memory_space<vmem_shared>> -> memref<10240x128xf32, #tpu.memory_space<vmem_shared>>
    tpu.wait_indirect_dma semaphore(%arg31 : memref<!tpu.dma_semaphore, #tpu.memory_space<semaphore_mem>>) src(%arg15 : memref<64x128xf32, #tpu.memory_space<vmem>>) dst(%dma_wait3A_73 : memref<10240x128xf32, #tpu.memory_space<vmem_shared>>)
    %dma_wait3A_74 = arith.constant 0 : i32
    %dma_wait3A_75 = arith.constant 0 : i32
    %dma_wait3A_76 = tpu.memref_slice %arg35[%dma_wait3A_74, %dma_wait3A_75] : memref<10240x128xf32, #tpu.memory_space<vmem_shared>> -> memref<10240x128xf32, #tpu.memory_space<vmem_shared>>
    tpu.wait_indirect_dma semaphore(%arg32 : memref<!tpu.dma_semaphore, #tpu.memory_space<semaphore_mem>>) src(%arg16 : memref<64x128xf32, #tpu.memory_space<vmem>>) dst(%dma_wait3A_76 : memref<10240x128xf32, #tpu.memory_space<vmem_shared>>)
    %dma_wait3A_77 = arith.constant 0 : i32
    %dma_wait3A_78 = arith.constant 0 : i32
    %dma_wait3A_79 = tpu.memref_slice %arg35[%dma_wait3A_77, %dma_wait3A_78] : memref<10240x128xf32, #tpu.memory_space<vmem_shared>> -> memref<10240x128xf32, #tpu.memory_space<vmem_shared>>
    tpu.wait_indirect_dma semaphore(%arg33 : memref<!tpu.dma_semaphore, #tpu.memory_space<semaphore_mem>>) src(%arg17 : memref<64x128xf32, #tpu.memory_space<vmem>>) dst(%dma_wait3A_79 : memref<10240x128xf32, #tpu.memory_space<vmem_shared>>)
    %dma_wait3A_80 = arith.constant 0 : i32
    %dma_wait3A_81 = arith.constant 0 : i32
    %dma_wait3A_82 = tpu.memref_slice %arg35[%dma_wait3A_80, %dma_wait3A_81] : memref<10240x128xf32, #tpu.memory_space<vmem_shared>> -> memref<10240x128xf32, #tpu.memory_space<vmem_shared>>
    tpu.wait_indirect_dma semaphore(%arg34 : memref<!tpu.dma_semaphore, #tpu.memory_space<semaphore_mem>>) src(%arg18 : memref<64x128xf32, #tpu.memory_space<vmem>>) dst(%dma_wait3A_82 : memref<10240x128xf32, #tpu.memory_space<vmem_shared>>)
    %barrier3A_83 = arith.constant 0 : index
    tpu.barrier barrier_id(%barrier3A_83)
    %mul3A_84 = arith.constant 640 : i32
    %mul3A_85 = arith.muli %arg1, %mul3A_84 : i32
    %mul3A_86 = arith.constant 640 : i32
    %mul3A_87 = arith.muli %arg1, %mul3A_86 : i32
    "tpu.region"() ({
      %run_scoped3A = tpu.sem_alloc : memref<!tpu.dma_semaphore, #tpu.memory_space<semaphore_mem>>
      %dma_start3A_88 = arith.constant 0 : i32
      %dma_start3A_89 = tpu.memref_slice %arg6[%arg0, %mul3A_87, %dma_start3A_88] : memref<2x10240x128xf32, #tpu.memory_space<hbm>> -> memref<1x640x128xf32, #tpu.memory_space<hbm>>
      %dma_start3A_90 = tpu.memref_squeeze %dma_start3A_89 : memref<1x640x128xf32, #tpu.memory_space<hbm>> -> memref<640x128xf32, #tpu.memory_space<hbm>>
      %dma_start3A_91 = arith.constant 0 : i32
      %dma_start3A_92 = tpu.memref_slice %arg35[%mul3A_85, %dma_start3A_91] : memref<10240x128xf32, #tpu.memory_space<vmem_shared>> -> memref<640x128xf32, #tpu.memory_space<vmem_shared>>
      tpu.enqueue_dma source(%dma_start3A_92 : memref<640x128xf32, #tpu.memory_space<vmem_shared>>) target(%dma_start3A_90 : memref<640x128xf32, #tpu.memory_space<hbm>>) target_semaphore(%run_scoped3A : memref<!tpu.dma_semaphore, #tpu.memory_space<semaphore_mem>>)
      %dma_wait3A_93 = arith.constant 0 : i32
      %dma_wait3A_94 = tpu.memref_slice %arg6[%arg0, %mul3A_87, %dma_wait3A_93] : memref<2x10240x128xf32, #tpu.memory_space<hbm>> -> memref<1x640x128xf32, #tpu.memory_space<hbm>>
      %dma_wait3A_95 = tpu.memref_squeeze %dma_wait3A_94 : memref<1x640x128xf32, #tpu.memory_space<hbm>> -> memref<640x128xf32, #tpu.memory_space<hbm>>
      %dma_wait3A_96 = arith.constant 0 : i32
      %dma_wait3A_97 = tpu.memref_slice %arg35[%mul3A_85, %dma_wait3A_96] : memref<10240x128xf32, #tpu.memory_space<vmem_shared>> -> memref<640x128xf32, #tpu.memory_space<vmem_shared>>
      tpu.wait_dma2 semaphore(%run_scoped3A : memref<!tpu.dma_semaphore, #tpu.memory_space<semaphore_mem>>) src(%dma_wait3A_97 : memref<640x128xf32, #tpu.memory_space<vmem_shared>>) dst(%dma_wait3A_95 : memref<640x128xf32, #tpu.memory_space<hbm>>)
      tpu.yield
    }) : () -> ()
    return
  }
}

module attributes {stable_mosaic.version = 14 : i64} {
  func.func @body(%arg0: i32, %arg1: memref<2x512x128xf32, #tpu.memory_space<vmem>>, %arg2: memref<512x128xf32, #tpu.memory_space<vmem>>, %arg3: memref<128x128xf32, #tpu.memory_space<vmem>>, %arg4: memref<512x128xf32, #tpu.memory_space<vmem>>, %arg5: memref<512x8xf32, #tpu.memory_space<vmem>>) attributes {dimension_semantics = [#tpu.dimension_semantics<arbitrary>], iteration_bounds = array<i64: 20>, scalar_prefetch = 0 : i64, scratch_operands = 0 : i64, tpu.core_type = #tpu.core_type<tc>, window_params = [{transform_indices = @transform_0, window_bounds = array<i64: 2, 512, 128>}, {transform_indices = @transform_1, window_bounds = array<i64: 512, 128>}, {pipeline_mode = #tpu.pipeline_mode<synchronous>, transform_indices = @transform_2, window_bounds = array<i64: 128, 128>}, {transform_indices = @transform_3, window_bounds = array<i64: 512, 128>}, {transform_indices = @transform_4, window_bounds = array<i64: 512, 8>}]} {
    %get3A = arith.constant 0 : index
    %get3A_0 = arith.constant 0 : index
    %get3A_1 = arith.constant 0 : index
    %get3A_2 = vector.load %arg1[%get3A, %get3A_0, %get3A_1] : memref<2x512x128xf32, #tpu.memory_space<vmem>>, vector<1x512x128xf32>
    %get3A_3 = vector.shape_cast %get3A_2 : vector<1x512x128xf32> to vector<512x128xf32>
    %get3A_4 = arith.constant 1 : index
    %get3A_5 = arith.constant 0 : index
    %get3A_6 = arith.constant 0 : index
    %get3A_7 = vector.load %arg1[%get3A_4, %get3A_5, %get3A_6] : memref<2x512x128xf32, #tpu.memory_space<vmem>>, vector<1x512x128xf32>
    %get3A_8 = vector.shape_cast %get3A_7 : vector<1x512x128xf32> to vector<512x128xf32>
    %add3A = arith.addf %get3A_3, %get3A_8 : vector<512x128xf32>
    %slice3A = vector.extract_strided_slice %add3A {offsets = [0, 0], sizes = [512, 1], strides = [1, 1]} : vector<512x128xf32> to vector<512x1xf32>
    %add3A_9 = arith.constant 1.000000e+00 : f32
    %add3A_10 = vector.broadcast %add3A_9 : f32 to vector<512x1xf32>
    %add3A_11 = arith.addf %slice3A, %add3A_10 : vector<512x1xf32>
    %iota3A = tpu.iota {dimensions = array<i32: 0>} : vector<512x1xi32>
    %mul3A = arith.constant 512 : i32
    %mul3A_12 = arith.muli %arg0, %mul3A : i32
    %add3A_13 = vector.broadcast %mul3A_12 : i32 to vector<512x1xi32>
    %add3A_14 = arith.addi %iota3A, %add3A_13 : vector<512x1xi32>
    %lt3A = arith.constant 10000 : i32
    %lt3A_15 = vector.broadcast %lt3A : i32 to vector<512x1xi32>
    %lt3A_16 = arith.cmpi slt, %add3A_14, %lt3A_15 : vector<512x1xi32>
    %rsqrt3A = math.rsqrt %add3A_11 : vector<512x1xf32>
    %jit3A = arith.constant 0.000000e+00 : f32
    %broadcast_in_dim3A = vector.broadcast %jit3A : f32 to vector<512x1xf32>
    %select_n3A = arith.select %lt3A_16, %rsqrt3A, %broadcast_in_dim3A : vector<512x1xi1>, vector<512x1xf32>
    %get3A_17 = arith.constant 0 : index
    %get3A_18 = arith.constant 0 : index
    %get3A_19 = vector.load %arg2[%get3A_17, %get3A_18] : memref<512x128xf32, #tpu.memory_space<vmem>>, vector<512x128xf32>
    %get3A_20 = arith.constant 0 : index
    %get3A_21 = arith.constant 0 : index
    %get3A_22 = vector.load %arg3[%get3A_20, %get3A_21] : memref<128x128xf32, #tpu.memory_space<vmem>>, vector<128x128xf32>
    %dot_general3A = arith.constant dense<0.000000e+00> : vector<512x128xf32>
    %dot_general3A_23 = tpu.matmul %get3A_19, %get3A_22, %dot_general3A {dimension_numbers = #tpu.dot_dimension_numbers<[1], [0], [0], [1], [0, 0, 1, 1], [], []>, transpose_lhs_hint = false} : vector<512x128xf32>, vector<128x128xf32>, vector<512x128xf32> -> vector<512x128xf32>
    %mul3A_24 = vector.broadcast %select_n3A : vector<512x1xf32> to vector<512x128xf32>
    %mul3A_25 = arith.mulf %dot_general3A_23, %mul3A_24 : vector<512x128xf32>
    %swap3A = arith.constant 0 : index
    %swap3A_26 = arith.constant 0 : index
    %swap3A_27 = vector.load %arg4[%swap3A, %swap3A_26] : memref<512x128xf32, #tpu.memory_space<vmem>>, vector<512x128xf32>
    tpu.vector_store %arg4[%swap3A, %swap3A_26], %mul3A_25 {strides = array<i32>} : memref<512x128xf32, #tpu.memory_space<vmem>>, vector<512x128xf32>,
    %broadcast_in_dim3A_28 = vector.shape_cast %select_n3A : vector<512x1xf32> to vector<512x1xf32>
    %broadcast_in_dim3A_29 = vector.broadcast %broadcast_in_dim3A_28 : vector<512x1xf32> to vector<512x8xf32>
    %swap3A_30 = arith.constant 0 : index
    %swap3A_31 = arith.constant 0 : index
    %swap3A_32 = vector.load %arg5[%swap3A_30, %swap3A_31] : memref<512x8xf32, #tpu.memory_space<vmem>>, vector<512x8xf32>
    tpu.vector_store %arg5[%swap3A_30, %swap3A_31], %broadcast_in_dim3A_29 {strides = array<i32>} : memref<512x8xf32, #tpu.memory_space<vmem>>, vector<512x8xf32>,
    return
  }
  func.func @transform_0(%arg0: i32) -> (i32, i32, i32) {
    %c0_i32 = arith.constant 0 : i32
    %c0_i32_0 = arith.constant 0 : i32
    %c0_i32_1 = arith.constant 0 : i32
    return %c0_i32, %arg0, %c0_i32_0 : i32, i32, i32
  }
  func.func @transform_1(%arg0: i32) -> (i32, i32) {
    %c0_i32 = arith.constant 0 : i32
    %c0_i32_0 = arith.constant 0 : i32
    return %arg0, %c0_i32 : i32, i32
  }
  func.func @transform_2(%arg0: i32) -> (i32, i32) {
    %c0_i32 = arith.constant 0 : i32
    %c0_i32_0 = arith.constant 0 : i32
    %c0_i32_1 = arith.constant 0 : i32
    return %c0_i32, %c0_i32_0 : i32, i32
  }
  func.func @transform_3(%arg0: i32) -> (i32, i32) {
    %c0_i32 = arith.constant 0 : i32
    %c0_i32_0 = arith.constant 0 : i32
    return %arg0, %c0_i32 : i32, i32
  }
  func.func @transform_4(%arg0: i32) -> (i32, i32) {
    %c0_i32 = arith.constant 0 : i32
    %c0_i32_0 = arith.constant 0 : i32
    return %arg0, %c0_i32 : i32, i32
  }
}

module attributes {stable_mosaic.version = 14 : i64} {
  func.func @body(%arg0: i32, %arg1: memref<2x512x128xf32, #tpu.memory_space<vmem>>, %arg2: memref<512x128xf32, #tpu.memory_space<vmem>>, %arg3: memref<512x8xf32, #tpu.memory_space<vmem>>, %arg4: memref<1x128xf32, #tpu.memory_space<vmem>>, %arg5: memref<512x128xf32, #tpu.memory_space<vmem>>) attributes {dimension_semantics = [#tpu.dimension_semantics<arbitrary>], iteration_bounds = array<i64: 20>, scalar_prefetch = 0 : i64, scratch_operands = 0 : i64, tpu.core_type = #tpu.core_type<tc>, window_params = [{transform_indices = @transform_0, window_bounds = array<i64: 2, 512, 128>}, {transform_indices = @transform_1, window_bounds = array<i64: 512, 128>}, {transform_indices = @transform_2, window_bounds = array<i64: 512, 8>}, {pipeline_mode = #tpu.pipeline_mode<synchronous>, transform_indices = @transform_3, window_bounds = array<i64: 1, 128>}, {transform_indices = @transform_4, window_bounds = array<i64: 512, 128>}]} {
    %get3A = arith.constant 0 : index
    %get3A_0 = arith.constant 0 : index
    %get3A_1 = arith.constant 0 : index
    %get3A_2 = vector.load %arg1[%get3A, %get3A_0, %get3A_1] : memref<2x512x128xf32, #tpu.memory_space<vmem>>, vector<1x512x128xf32>
    %get3A_3 = vector.shape_cast %get3A_2 : vector<1x512x128xf32> to vector<512x128xf32>
    %get3A_4 = arith.constant 1 : index
    %get3A_5 = arith.constant 0 : index
    %get3A_6 = arith.constant 0 : index
    %get3A_7 = vector.load %arg1[%get3A_4, %get3A_5, %get3A_6] : memref<2x512x128xf32, #tpu.memory_space<vmem>>, vector<1x512x128xf32>
    %get3A_8 = vector.shape_cast %get3A_7 : vector<1x512x128xf32> to vector<512x128xf32>
    %add3A = arith.addf %get3A_3, %get3A_8 : vector<512x128xf32>
    %get3A_9 = arith.constant 0 : index
    %get3A_10 = arith.constant 0 : index
    %get3A_11 = vector.load %arg2[%get3A_9, %get3A_10] : memref<512x128xf32, #tpu.memory_space<vmem>>, vector<512x128xf32>
    %add3A_12 = arith.addf %add3A, %get3A_11 : vector<512x128xf32>
    %get3A_13 = arith.constant 0 : index
    %get3A_14 = arith.constant 0 : index
    %get3A_15 = vector.load %arg3[%get3A_13, %get3A_14] : memref<512x8xf32, #tpu.memory_space<vmem>>, vector<512x1xf32>
    %mul3A = vector.broadcast %get3A_15 : vector<512x1xf32> to vector<512x128xf32>
    %mul3A_16 = arith.mulf %add3A_12, %mul3A : vector<512x128xf32>
    %get3A_17 = arith.constant 0 : index
    %get3A_18 = arith.constant 0 : index
    %get3A_19 = vector.load %arg4[%get3A_17, %get3A_18] : memref<1x128xf32, #tpu.memory_space<vmem>>, vector<1x128xf32>
    %add3A_20 = vector.broadcast %get3A_19 : vector<1x128xf32> to vector<512x128xf32>
    %add3A_21 = arith.addf %mul3A_16, %add3A_20 : vector<512x128xf32>
    %swap3A = arith.constant 0 : index
    %swap3A_22 = arith.constant 0 : index
    %swap3A_23 = vector.load %arg5[%swap3A, %swap3A_22] : memref<512x128xf32, #tpu.memory_space<vmem>>, vector<512x128xf32>
    tpu.vector_store %arg5[%swap3A, %swap3A_22], %add3A_21 {strides = array<i32>} : memref<512x128xf32, #tpu.memory_space<vmem>>, vector<512x128xf32>,
    return
  }
  func.func @transform_0(%arg0: i32) -> (i32, i32, i32) {
    %c0_i32 = arith.constant 0 : i32
    %c0_i32_0 = arith.constant 0 : i32
    %c0_i32_1 = arith.constant 0 : i32
    return %c0_i32, %arg0, %c0_i32_0 : i32, i32, i32
  }
  func.func @transform_1(%arg0: i32) -> (i32, i32) {
    %c0_i32 = arith.constant 0 : i32
    %c0_i32_0 = arith.constant 0 : i32
    return %arg0, %c0_i32 : i32, i32
  }
  func.func @transform_2(%arg0: i32) -> (i32, i32) {
    %c0_i32 = arith.constant 0 : i32
    %c0_i32_0 = arith.constant 0 : i32
    return %arg0, %c0_i32 : i32, i32
  }
  func.func @transform_3(%arg0: i32) -> (i32, i32) {
    %c0_i32 = arith.constant 0 : i32
    %c0_i32_0 = arith.constant 0 : i32
    %c0_i32_1 = arith.constant 0 : i32
    return %c0_i32, %c0_i32_0 : i32, i32
  }
  func.func @transform_4(%arg0: i32) -> (i32, i32) {
    %c0_i32 = arith.constant 0 : i32
    %c0_i32_0 = arith.constant 0 : i32
    return %arg0, %c0_i32 : i32, i32
  }
}

</mosaic_0001>

<sc_bundles>
// kernel: kernel.6.cloned.1.call-start
scs
__scs_entry_jumppad:
0x0: {  	(pc) =	sbr.rel $0x88, $3  }
0x1: {  	(tag) =	ssettag $0x0;
	lr =	simm.s32 $0x1  }
0x2: {  	[smem:$0x3F9D] =	sst lr;
	_ =	strace $0xD0000000  }
0x3: {  	_ = 	snop  }
0x4: {  	_ = 	snop  }
0x5: {  	_ = 	snop  }
0x6: {  	_ = 	snop  }
0x7: {  	_ = 	snop  }
__scs_overlays_trampoline_lowered:
0x8: {  	[smem:$0x3FAC] =	sst s0  }
0x9: {  	[smem:$0x3FAD] =	sst s1  }
0xa: {  	[smem:$0x3FAE] =	sst s2  }
0xb: {  	[smem:$0x3FAF] =	sst s3  }
0xc: {  	[smem:$0x3FB0] =	sst s4  }
0xd: {  	[smem:$0x3FB1] =	sst s5  }
0xe: {  	[smem:$0x3FB2] =	sst s6  }
0xf: {  	[smem:$0x3FB3] =	sst s7  }
0x10: {  	[smem:$0x3FB4] =	sst s8  }
0x11: {  	[smem:$0x3FB5] =	sst s9;
	s0 =	simm.s32 @!p0 $0x0  }
0x12: {  	s1 =	sld [smem:$0x3F9B];
	s0 =	simm.s32 @p0 $0x1  }
0x13: {  	[smem:$0x3FB6] =	sst s0;
	s0 =	simm.s32 @!p1 $0x0  }
0x14: {  	s2 =	sld [smem:$0x3F9A];
	s0 =	simm.s32 @p1 $0x1  }
0x15: {  	[smem:$0x3FB7] =	sst s0;
	s0 =	simm.s32 @!p2 $0x0  }
0x16: {  	s3 =	sld [smem:$0x3FDB];
	s0 =	simm.s32 @p2 $0x1  }
0x17: {  	s4 =	simm.s32 $0x1BF5;
	[smem:$0x3FB9] =	sst s0  }
0x18: {  	s0 =	sld [smem:$0x3F9C];
	_ =	swait.ge [sflag:s4], $0x0  }
0x19: {  	s7 =	sld [smem:$0x3F9D]  }
0x1a: {  	s8 =	sadd.s32 $0xFFFFE003, lr  }
0x1b: {  	s9 =	sadd.s32 $0xFFFFFEF7, lr;
	s5 =	simm.s32 $0xFFFFFFFF;
	p2 =	slt.u32 s8, $0xFFFFF086  }
0x1c: {  	p1 =	slt.u32 s9, $0xF7A;
	s5 =	simm.s32 @!p2 $0x0  }
0x1d: {  	s5 =	simm.s32 @p1 $0x1;
	p0 =	seq.s32 s7, s2  }
0x1e: {  	s7 =	smul.u32 @!p0 $0xF7A, s2;
	p2 =	seq.s32 @!p0 s5, $0x0  }
0x1f: {  	s9 =	smul.u32 $0xF7A, s1;
	s8 =	simm.s32 @!p0 $0x1BF5;
	p2 =	por !p2, p0  }
0x20: {  	[sflag:s8] =	ssyncset.s32 @!p0 $0xFFFFF086;
	s6 =	sadd.s32 @!p0 s3, s7;
	s7 =	simm.s32 @!p0 $0x108  }
0x21: {  	s3 =	sadd.s32 s3, s9;
	s6 =	sadd.s32 @!p0 $0x88, s6;
	s7 =	simm.s32 @p2 $0x1082  }
0x22: {  	[simem:s7], [sflag:s8] =	dma.local @!p0 [hbm:s6], $0xF7A  }
0x23: {  	s9 =	sor.u32 $0xD0000000, s2;
	s6 =	simm.s32 $0x108;
	_ =	swait.ge @!p0 [sflag:s8], $0x0  }
0x24: {  	s3 =	sadd.s32 $0x88, s3;
	s6 =	simm.s32 @!p1 $0x1082;
	[sflag:s4] =	ssyncset.s32 $0xFFFFF086  }
0x25: {  	[simem:s6], [sflag:s4] =	dma.local [hbm:s3], $0xF7A  }
0x26: {  	[smem:$0x3F9D] =	sst s1;
	(tag) =	ssettag s2;
	_ =	strace s9  }
0x27: {  	s1 =	sld [smem:$0x3FAD]  }
0x28: {  	s2 =	sld [smem:$0x3FAE]  }
0x29: {  	s4 =	sld [smem:$0x3FB0]  }
0x2a: {  	p0 =	seq.s32 s5, $0x0;
	s5 =	sld [smem:$0x3FB1]  }
0x2b: {  	s6 =	sld [smem:$0x3FB2]  }
0x2c: {  	s7 =	sld [smem:$0x3FB3]  }
0x2d: {  	s3 =	simm.s32 $0x108;
	s8 =	sld [smem:$0x3FB4]  }
0x2e: {  	s3 =	simm.s32 @!p0 $0x1082;
	s9 =	sld [smem:$0x3FB5]  }
0x2f: {  	lr =	sadd.s32 s0, s3;
	s0 =	sld [smem:$0x3FAC]  }
0x30: {  	s3 =	sld [smem:$0x3FAF]  }
0x31: {  	[smem:$0x3FB8] =	sst s10  }
0x32: {  	s10 =	sld [smem:$0x3FB6];
	_ =	sdelay $0x3  }
0x33: {  	p0 =	seq.s32 s10, $0x1;
	s10 =	sld [smem:$0x3FB8];
	_ =	sdelay $0x3  }
0x34: {  	[smem:$0x3FB8] =	sst s10  }
0x35: {  	s10 =	sld [smem:$0x3FB7];
	_ =	sdelay $0x3  }
0x36: {  	p1 =	seq.s32 s10, $0x1;
	s10 =	sld [smem:$0x3FB8];
	_ =	sdelay $0x3  }
0x37: {  	[smem:$0x3FB8] =	sst s10  }
0x38: {  	s10 =	sld [smem:$0x3FB9]  }
0x39: {  	_ = 	snop;
	(pc) =	sbr.ind lr, $3  }
0x3a: {  	_ = 	snop  }
0x3b: {  	_ = 	snop  }
0x3c: {  	p2 =	seq.s32 s10, $0x1;
	s10 =	sld [smem:$0x3FB8]  }
0x3d: {  	_ =	shalt  }
0x3e: {  	_ =	shalt  }
0x3f: {  	_ =	shalt  }
0x40: {  	_ =	shalt  }
0x41: {  	_ =	shalt  }
0x42: {  	_ =	shalt  }
0x43: {  	_ =	shalt  }
0x44: {  	_ =	shalt  }
0x45: {  	_ =	shalt  }
0x46: {  	_ =	shalt  }
0x47: {  	_ =	shalt  }
0x48: {  	_ =	shalt  }
0x49: {  	_ =	shalt  }
0x4a: {  	_ =	shalt  }
0x4b: {  	_ =	shalt  }
0x4c: {  	_ =	shalt  }
0x4d: {  	_ =	shalt  }
0x4e: {  	_ =	shalt  }
0x4f: {  	_ =	shalt  }
0x50: {  	_ =	shalt  }
0x51: {  	_ =	shalt  }
0x52: {  	_ =	shalt  }
0x53: {  	_ =	shalt  }
0x54: {  	_ =	shalt  }
0x55: {  	_ =	shalt  }
0x56: {  	_ =	shalt  }
0x57: {  	_ =	shalt  }
0x58: {  	_ =	shalt  }
0x59: {  	_ =	shalt  }
0x5a: {  	_ =	shalt  }
0x5b: {  	_ =	shalt  }
0x5c: {  	_ =	shalt  }
0x5d: {  	_ =	shalt  }
0x5e: {  	_ =	shalt  }
0x5f: {  	_ =	shalt  }
0x60: {  	_ =	shalt  }
0x61: {  	_ =	shalt  }
0x62: {  	_ =	shalt  }
0x63: {  	_ =	shalt  }
0x64: {  	_ =	shalt  }
0x65: {  	_ =	shalt  }
0x66: {  	_ =	shalt  }
0x67: {  	_ =	shalt  }
0x68: {  	_ =	shalt  }
0x69: {  	_ =	shalt  }
0x6a: {  	_ =	shalt  }
0x6b: {  	_ =	shalt  }
0x6c: {  	_ =	shalt  }
0x6d: {  	_ =	shalt  }
0x6e: {  	_ =	shalt  }
0x6f: {  	_ =	shalt  }
0x70: {  	_ =	shalt  }
0x71: {  	_ =	shalt  }
0x72: {  	_ =	shalt  }
0x73: {  	_ =	shalt  }
0x74: {  	_ =	shalt  }
0x75: {  	_ =	shalt  }
0x76: {  	_ =	shalt  }
0x77: {  	_ =	shalt  }
0x78: {  	_ =	shalt  }
0x79: {  	_ =	shalt  }
0x7a: {  	_ =	shalt  }
0x7b: {  	_ =	shalt  }
0x7c: {  	_ =	shalt  }
0x7d: {  	_ =	shalt  }
0x7e: {  	_ =	shalt  }
0x7f: {  	_ =	shalt  }
0x80: {  	_ =	shalt  }
0x81: {  	_ =	shalt  }
0x82: {  	_ =	shalt  }
0x83: {  	_ =	shalt  }
0x84: {  	_ =	shalt  }
0x85: {  	_ =	shalt  }
0x86: {  	_ =	shalt  }
0x87: {  	_ =	shalt  }
.Lfunc_end0:
.L_simem_size_0:
called_computation_lowered:
.L_overlay_start_0:
0x88: {  	s2 =	sld [smem:$0x3FD9]  }
0x89: {  	s3 =	sld [smem:$0x3FFE];
	_ =	sdelay $0x1  }
0x8a: {  	s1 =	srdreg.scid  }
0x8b: {  	s0 =	sand.u32 $0x1, s1  }
0x8c: {  	s17 =	sshll.u32 s0, $0xA;
	s2 =	sadd.s32 s3, s2  }
0x8d: {  	s2 =	sadd.s32 s2, s17  }
0x8e: {  	[smem:$0x3FC4] =	sst s2  }
0x8f: {  	_ = 	snop  }
0x90: {  	s2 =	sld [smem:$0x3FD0];
	(tm) =	ssettm $0x1  }
0x91: {  	s18 =	sld [smem:$0x3FFB];
	_ =	sdelay $0x3  }
0x92: {  	_ =	strace s18  }
0x93: {  	s3 =	sld [smem:$0x3FFC];
	_ =	sdelay $0x3  }
0x94: {  	_ =	strace s3  }
0x95: {  	s3 =	sld [smem:$0x3FFD];
	_ =	sdelay $0x3  }
0x96: {  	_ =	strace s3  }
0x97: {  	_ =	strace $0x8FFFFFFF  }
0x98: {  	s19 =	sld [smem:$0x3FDB];
	_ =	sdelay $0x1  }
0x99: {  	s4 =	simm.s32 $_scs_section_size  }
0x9a: {  	s5 =	simm.s32 $_size__tile_overlayer_lowered;
	s6 =	simm.s32 $_tile_overlayer_lowered  }
0x9b: {  	s22 =	simm.s32 $0x1BFF;
	s21 =	sshll.u32 s6, $0x1;
	s3 =	sadd.s32 s4, s19  }
0x9c: {  	s7 =	simm.s32 $0x0;
	s20 =	sshll.u32 s5, $0x1;
	s5 =	sadd.s32 s21, s3  }
0x9d: {  	[timem:s7], [sflag:s22] =	dma.local [hbm:s5], s20  }
0x9e: {  	_ =	swait.ge [sflag:s22], s20  }
0x9f: {  	s4 =	ssub.s32 $0x0, s20;
	[sflag:s22] =	ssyncset.done $0x0  }
0xa0: {  	[sflag:s22] =	ssyncadd.s32 s4;
	_ =	sdelay $0x1  }
0xa1: {  	s23 =	simm.s32 $0x1B8B  }
0xa2: {  	_ =	swait.ge [sflag:s23], $0x1  }
0xa3: {  	[sflag:s23] =	ssyncset.done $0x0  }
0xa4: {  	s25 =	simm.s32 $0x1B8E;
	s24 =	sld [smem:$0x3FFE];
	[sflag:s23] =	ssyncadd.s32 $0xFFFFFFFF  }
0xa5: {  	s26 =	simm.s32 $execute0_lowered;
	[smem:$0x3FD2] =	sst s25  }
0xa6: {  	s5 =	sshll.u32 s26, $0x1;
	_ =	strace $0x80000046;
	[dreg:$0x1] =	wrdreg $0xFFFFFFFF  }
0xa7: {  	s28 =	simm.s32 $_size_execute0_lowered;
	s3 =	sadd.s32 s3, s5;
	[dreg:$0x0] =	wrdreg $0x0  }
0xa8: {  	s5 =	sshll.u32 s28, $0x1;
	[dreg:$0x2] =	wrdreg s3  }
0xa9: {  	[dreg:$0x3] =	wrdreg s5  }
0xaa: {  	[dreg:$0x4] =	wrdreg $0xC0  }
0xab: {  	_ =	task [dreg:s7], $0x5FFFF  }
0xac: {  	[dreg:$0x1] =	wrdreg $0xFFFFFFFF  }
0xad: {  	[dreg:$0x0] =	wrdreg $0x60  }
0xae: {  	[dreg:$0x2] =	wrdreg s2  }
0xaf: {  	[dreg:$0x3] =	wrdreg s24  }
0xb0: {  	[dreg:$0x4] =	wrdreg $0x42000  }
0xb1: {  	[dreg:$0x5] =	wrdreg $0x9  }
0xb2: {  	_ =	task.clear_ibuf [dreg:s7], $0x6FFFF;
	_ =	strace $0x90000046  }
0xb3: {  	s29 =	simm.s32 $0x9;
	_ =	strace $0x80000048  }
0xb4: {  	_ =	swait.ge [sflag:s29], $0x1  }
0xb5: {  	[sflag:s29] =	ssyncadd.s32 $0xFFFFFFFF  }
0xb6: {  	_ =	strace $0x90000048  }
0xb7: {  	_ =	sfence  }
0xb8: {  	s30 =	sld [smem:$0x0];
	_ =	sdelay $0x2  }
0xb9: {  	s31 =	sshll.u32 s1, $0xD;
	s1 =	sshrl.u32 s1, $0x2  }
0xba: {  	s3 =	sand.u32 $0x4000, s31;
	s1 =	sadd.s32 s1, s30  }
0xbb: {  	s0 =	sor.u32 s3, s0;
	s1 =	sshll.u32 s1, $0x11  }
0xbc: {  	s0 =	sor.u32 s1, s0  }
0xbd: {  	s0 =	sadd.s32 $0x8F2B, s0  }
0xbe: {  	[sflag:s0] =	ssyncadd.remote.s32 $0x1  }
0xbf: {  	_ =	sfence.sel $0xFFFF  }
0xc0: {  	[dreg:$0x0] =	wrdreg $0xFFFFFFFF;
	(pc) =	sbr.abs _section_cstart, $3  }
0xc1: {  	[dreg:$0x1] =	wrdreg $0xFFFFFFFF  }
0xc2: {  	_ =	task.clear_ibuf [dreg:s7], $0x2FFFF;
	_ =	strace $0x9FFFFFFF  }
0xc3: {  	(tm) =	ssettm $0x7FFFFFFF  }
tec
execute0_lowered:
.L_overlay_start_1:
0x0: {  	(tag) =	ssettag $0x1  }
0x1: {  	s1 =	rddreg [dreg:$0x0]  }
0x2: {  	s5 =	rddreg [dreg:$0x1];
	s0 =	stileid.u32  }
0x3: {  	s3 =	srdreg.scid;
	s2 =	rddreg [dreg:$0x2]  }
0x4: {  	s28 =	simm.s32 $0x6;
	s29 =	simm.s32 $0x7;
	s30 =	simm.s32 $0x8  }
0x5: {  	s31 =	simm.s32 $0x0;
	s4 =	smul.u32 $0x14000, s0;
	s6 =	sand.u32 $0x1, s3  }
0x6: {  	s3 =	simm.s32 $0x0;
	s16 =	sadd.s32 $0x29800, s5;
	s11 =	smul.u32 $0x50000, s0  }
0x7: {  	s9 =	sshll.u32 s0, $0x1;
	s20 =	smul.u32 $0x5000, s0;
	s23 =	sshll.u32 s0, $0x6  }
0x8: {  	s7 =	smul.u32 $0x140000, s6;
	[smem:$0x7FF] =	sst s3;
	s10 =	ssub.s32 $0x2, s6  }
0x9: {  	s9 =	sor.u32 s6, s9;
	s21 =	smul.u32 $0x2800, s6;
	s8 =	sshrl.u32 s4, $0x3  }
0xa: {  	_ =	strace $0x80000047;
	[dreg:$0x4] =	wrdreg s16;
	s17 =	sshrl.u32 s10, $0x1  }
0xb: {  	s18 =	smul.u32 $0x2800, s9;
	s19 =	sshrl.u32 s11, $0x2;
	s8 =	sadd.s32 s8, s5  }
0xc: {  	s7 =	sadd.s32 s4, s7;
	s13 =	ssub.s32 s10, s17;
	s17 =	sadd.s32 s19, s2  }
0xd: {  	s14 =	sadd.s32 s21, s20;
	s19 =	simm.s32 $0x200;
	s20 =	simm.s32 $0x80  }
0xe: {  	s21 =	simm.s32 $0x100;
	s7 =	sshrl.u32 s7, $0x3;
	s22 =	sadd.s32 $0x1800, s8  }
0xf: {  	s15 =	sor.u32 $0x380, s14;
	s25 =	sor.u32 $0x300, s14;
	s16 =	sor.u32 $0x280, s14  }
0x10: {  	s17 =	sshrl.u32 s17, $0x3;
	s12 =	sadd.s32 s7, s5;
	s7 =	sshrl.u32 s18, $0x3  }
0x11: {  	[dreg:$0x5] =	wrdreg s22;
	s24 =	sshrl.u32 s15, $0x3;
	s15 =	sshrl.u32 s25, $0x3  }
0x12: {  	s16 =	sshrl.u32 s16, $0x3;
	s18 =	sor.u32 $0x200, s14;
	s22 =	simm.s32 $0x180  }
0x13: {  	s25 =	simm.s32 $0x4;
	s6 =	sadd.s32 s1, s7;
	s7 =	sor.u32 $0x1C09, s23  }
.Ltmp0:
0x14: {  	s11 =	sadd.s32 $0x2A000, s12;
	s12 =	smax.u32 s13, $0x1;
	(pc) =	sbr.rel .LBB2_1-.Ltmp0, $4  }
0x15: {  	s13 =	sadd.s32 s24, s1;
	s14 =	sadd.s32 s15, s1;
	s15 =	sadd.s32 s16, s1  }
0x16: {  	s26 =	sshrl.u32 s18, $0x3;
	s18 =	simm.s32 $0x9;
	s23 =	simm.s32 $0x1  }
0x17: {  	s24 =	simm.s32 $0x3;
	s8 =	sadd.s32 $0x10, s6;
	s9 =	sadd.s32 $0x20, s6  }
0x18: {  	s10 =	sadd.s32 $0x30, s6;
	s16 =	sadd.s32 s26, s1;
	s26 =	simm.s32 $0x5  }
.LBB2_4:
0x19: {  	_ =	swait.ge [sflag:s25], $0x80  }
0x1a: {  	[sflag:s25] =	ssyncset.done $0x0  }
0x1b: {  	[sflag:s25] =	ssyncadd.s32 $0xFFFFFF80  }
0x1c: {  	[spmem:s2] =	stream.indirect.scatter.add.f32 [tilespmem:s19], [sflag:$0x8], $0x80, s22, s20, $0xb8;
	[tilespmem:$0x18200] =	vst v63  }
0x1d: {  	_ =	swait.ge [sflag:s26], $0x4000  }
0x1e: {  	[sflag:s26] =	ssyncset.done $0x0  }
0x1f: {  	[sflag:s26] =	ssyncadd.s32 $0xFFFFC000  }
0x20: {  	_ =	swait.ge [sflag:s28], $0x4000  }
0x21: {  	[sflag:s28] =	ssyncset.done $0x0  }
0x22: {  	[sflag:s28] =	ssyncadd.s32 $0xFFFFC000  }
0x23: {  	_ =	swait.ge [sflag:s29], $0x4000  }
0x24: {  	[sflag:s29] =	ssyncset.done $0x0  }
0x25: {  	[sflag:s29] =	ssyncadd.s32 $0xFFFFC000  }
0x26: {  	_ =	swait.ge [sflag:s30], $0x4000  }
0x27: {  	s31 =	sadd.s32 $0x1, s31;
	[sflag:s30] =	ssyncset.done $0x0  }
0x28: {  	p0 =	sne.s32 s31, s12;
	[sflag:s30] =	ssyncadd.s32 $0xFFFFC000  }
.Ltmp1:
0x29: {  	[bflag:$0x0] =	sbarrier.arrive $0xFFFF;
	(pc) =	sbr.rel @!p0 .LBB2_5-.Ltmp1, $4  }
0x2a: {  	[hbm:s11], [sflag:s7] =	dma.local [spmem:s17], $0x2800  }
0x2b: {  	_ =	swait.ge [sflag:s18], $0x2800  }
0x2c: {  	[sflag:s18] =	ssyncset.done $0x0  }
0x2d: {  	[sflag:s18] =	ssyncadd.s32 $0xFFFFD800  }
.LBB2_1:
0x2e: {  	s0 =	rddreg [dreg:$0x5]  }
0x2f: {  	[spmem:s17], [sflag:s7] =	dma.local [hbm:s0], $0x2800  }
0x30: {  	_ =	swait.ge [sflag:s18], $0x2800  }
0x31: {  	[sflag:s18] =	ssyncset.done $0x0  }
0x32: {  	s5 =	rddreg [dreg:$0x4];
	[sflag:s18] =	ssyncadd.s32 $0xFFFFD800  }
0x33: {  	[tilespmem:s19], [sflag:$0x9] =	stream.linear.gather [hbm4b:s5+s3], $0x4000, $0x38;
	[tilespmem:$0x18200] =	vst v63  }
0x34: {  	_ =	swait.ge [sflag:s18], $0x4000  }
0x35: {  	[sflag:s18] =	ssyncset.done $0x0  }
0x36: {  	[sflag:s18] =	ssyncadd.s32 $0xFFFFC000  }
0x37: {  	[bflag:$0x0] =	sbarrier.arrive $0xFFFF  }
0x38: {  	[tilespmem:s3], [sflag:$0x1] =	stream.linear.gather [hbm4b:s6+s3], $0x80, $0x38;
	[tilespmem:$0x18200] =	vst v63  }
0x39: {  	_ = 	snop  }
0x3a: {  	[tilespmem:s20], [sflag:$0x2] =	stream.linear.gather [hbm4b:s8+s3], $0x80, $0x38;
	[tilespmem:$0x18200] =	vst v63  }
0x3b: {  	_ = 	snop  }
0x3c: {  	[tilespmem:s21], [sflag:$0x3] =	stream.linear.gather [hbm4b:s9+s3], $0x80, $0x38;
	[tilespmem:$0x18200] =	vst v63  }
0x3d: {  	s1 =	simm.s32 $0x0  }
0x3e: {  	[tilespmem:s22], [sflag:$0x4] =	stream.linear.gather [hbm4b:s10+s3], $0x80, $0x38;
	[tilespmem:$0x18200] =	vst v63  }
.LBB2_2:
0x3f: {  	_ =	swait.ge [sflag:s23], $0x80  }
0x40: {  	p0 =	seq.s32 s1, $0x4C0;
	[sflag:s23] =	ssyncset.done $0x0  }
0x41: {  	s0 =	simm.s32 @p0 $0x2;
	[sflag:s23] =	ssyncadd.s32 $0xFFFFFF80  }
0x42: {  	[spmem:s2] =	stream.indirect.scatter.add.f32 [tilespmem:s19], [sflag:$0x5], $0x80, s3, s20, $0xb8;
	[tilespmem:$0x18200] =	vst v63  }
0x43: {  	_ =	swait.ge @p0 [sflag:s0], $0x80  }
0x44: {  	[sflag:s0] =	ssyncset.done @p0 $0x0  }
0x45: {  	s4 =	simm.s32 @p0 $0x200;
	[sflag:s0] =	ssyncadd.s32 @p0 $0xFFFFFF80;
	s0 =	simm.s32 @p0 $0x80  }
0x46: {  	[spmem:s2] =	stream.indirect.scatter.add.f32 @p0 [tilespmem:s4], [sflag:$0x6], $0x80, s0, s0, $0xb8;
	[tilespmem:$0x18200] =	vst v63  }
0x47: {  	s0 =	simm.s32 @!p0 $0x5  }
0x48: {  	_ =	swait.ge @!p0 [sflag:s0], $0x4000  }
0x49: {  	[sflag:s0] =	ssyncset.done @!p0 $0x0  }
0x4a: {  	s4 =	simm.s32 @!p0 $0x0;
	[sflag:s0] =	ssyncadd.s32 @!p0 $0xFFFFC000;
	s0 =	sadd.s32 @!p0 s1, s16  }
0x4b: {  	[tilespmem:s4], [sflag:$0x1] =	stream.linear.gather @!p0 [hbm4b:s0+s4], $0x80, $0x38;
	[tilespmem:$0x18200] =	vst v63  }
0x4c: {  	s0 =	simm.s32 @!p0 $0x2  }
0x4d: {  	_ =	swait.ge @!p0 [sflag:s0], $0x80  }
0x4e: {  	[sflag:s0] =	ssyncset.done @!p0 $0x0  }
0x4f: {  	s5 =	simm.s32 @!p0 $0x200;
	[sflag:s0] =	ssyncadd.s32 @!p0 $0xFFFFFF80;
	s0 =	simm.s32 @!p0 $0x80  }
0x50: {  	[spmem:s2] =	stream.indirect.scatter.add.f32 @!p0 [tilespmem:s5], [sflag:$0x6], $0x80, s0, s0, $0xb8;
	[tilespmem:$0x18200] =	vst v63  }
0x51: {  	s5 =	simm.s32 @!p0 $0x6  }
0x52: {  	_ =	swait.ge @!p0 [sflag:s5], $0x4000  }
0x53: {  	[sflag:s5] =	ssyncset.done @!p0 $0x0  }
0x54: {  	[sflag:s5] =	ssyncadd.s32 @!p0 $0xFFFFC000;
	s5 =	sadd.s32 @!p0 s1, s15  }
0x55: {  	[tilespmem:s0], [sflag:$0x2] =	stream.linear.gather @!p0 [hbm4b:s5+s4], $0x80, $0x38;
	[tilespmem:$0x18200] =	vst v63  }
.Ltmp2:
0x56: {  	_ = 	snop;
	(pc) =	sbr.rel @p0 .LBB2_4-.Ltmp2, $4  }
0x57: {  	_ =	swait.ge [sflag:s24], $0x80  }
0x58: {  	[sflag:s24] =	ssyncset.done $0x0  }
0x59: {  	[sflag:s24] =	ssyncadd.s32 $0xFFFFFF80  }
0x5a: {  	[spmem:s2] =	stream.indirect.scatter.add.f32 [tilespmem:s19], [sflag:$0x7], $0x80, s21, s20, $0xb8;
	[tilespmem:$0x18200] =	vst v63  }
0x5b: {  	_ =	swait.ge [sflag:s29], $0x4000  }
0x5c: {  	[sflag:s29] =	ssyncset.done $0x0  }
0x5d: {  	s0 =	sadd.s32 s1, s14;
	[sflag:s29] =	ssyncadd.s32 $0xFFFFC000  }
0x5e: {  	[tilespmem:s21], [sflag:$0x3] =	stream.linear.gather [hbm4b:s0+s3], $0x80, $0x38;
	[tilespmem:$0x18200] =	vst v63  }
0x5f: {  	_ =	swait.ge [sflag:s25], $0x80  }
0x60: {  	[sflag:s25] =	ssyncset.done $0x0  }
0x61: {  	[sflag:s25] =	ssyncadd.s32 $0xFFFFFF80  }
0x62: {  	[spmem:s2] =	stream.indirect.scatter.add.f32 [tilespmem:s19], [sflag:$0x8], $0x80, s22, s20, $0xb8;
	[tilespmem:$0x18200] =	vst v63  }
.Ltmp3:
0x63: {  	_ = 	snop;
	(pc) =	sbr.rel .LBB2_2-.Ltmp3, $4  }
0x64: {  	_ =	swait.ge [sflag:s30], $0x4000  }
0x65: {  	[sflag:s30] =	ssyncset.done $0x0  }
0x66: {  	s5 =	sadd.s32 s1, s13;
	s1 =	sadd.s32 $0x40, s1;
	[sflag:s30] =	ssyncadd.s32 $0xFFFFC000  }
0x67: {  	[tilespmem:s22], [sflag:$0x4] =	stream.linear.gather [hbm4b:s5+s3], $0x80, $0x38;
	[tilespmem:$0x18200] =	vst v63  }
.LBB2_5:
0x68: {  	_ =	sfence.sel $0x180000  }
0x69: {  	[bflag:$0x0] =	sbarrier.arrive $0xFFFF  }
0x6a: {  	_ =	strace $0x90000047  }
0x6b: {  	s0 =	stileid.u32;
	[bflag:$0x2] =	sbarrier.arrive $0xFFFF  }
0x6c: {  	p0 =	sne.s32 s0, $0x0;
	s0 =	rddreg [dreg:$0x3]  }
0x6d: {  	s0 =	sadd.s32 @!p0 $0x100000, s0  }
0x6e: {  	[sflag:s0] =	ssyncadd.tile.s32 @!p0 $0x1;
	_ =	shalt  }
.Lfunc_end2:
_tile_overlayer_lowered:
.L_overlay_start_2:
0x6f: {  	(tag) =	ssettag $0x2  }
0x70: {  	s0 =	rddreg [dreg:$0x0];
	s2 =	stileid.u32  }
0x71: {  	s1 =	rddreg [dreg:$0x1];
	p0 =	sne.s32 s2, $0x0  }
0x72: {  	s3 =	rddreg [dreg:$0x2];
	[bflag:$0x3] =	sbarrier.arrive $0xFFFF;
	s2 =	simm.s32 @!p0 $0x1C09  }
0x73: {  	[timem:s3], [sflag:s2] =	dma.local @!p0 [hbm:s0], s1  }
0x74: {  	s0 =	simm.s32 @!p0 $0x9  }
0x75: {  	_ =	swait.ge @!p0 [sflag:s0], s1  }
0x76: {  	s1 =	ssub.s32 @!p0 $0x0, s1;
	[sflag:s0] =	ssyncset.done @!p0 $0x0  }
0x77: {  	[sflag:s0] =	ssyncadd.s32 @!p0 s1  }
0x78: {  	[bflag:$0x3] =	sbarrier.arrive $0xFFFF  }
0x79: {  	_ =	shalt  }

// kernel: kernel.9.cloned.1.call-start
scs
__scs_entry_jumppad:
0x0: {  	(pc) =	sbr.rel $0x88, $3  }
0x1: {  	(tag) =	ssettag $0x0;
	lr =	simm.s32 $0x1  }
0x2: {  	[smem:$0x3F9D] =	sst lr;
	_ =	strace $0xD0000000  }
0x3: {  	_ = 	snop  }
0x4: {  	_ = 	snop  }
0x5: {  	_ = 	snop  }
0x6: {  	_ = 	snop  }
0x7: {  	_ = 	snop  }
__scs_overlays_trampoline_lowered:
0x8: {  	[smem:$0x3FAC] =	sst s0  }
0x9: {  	[smem:$0x3FAD] =	sst s1  }
0xa: {  	[smem:$0x3FAE] =	sst s2  }
0xb: {  	[smem:$0x3FAF] =	sst s3  }
0xc: {  	[smem:$0x3FB0] =	sst s4  }
0xd: {  	[smem:$0x3FB1] =	sst s5  }
0xe: {  	[smem:$0x3FB2] =	sst s6  }
0xf: {  	[smem:$0x3FB3] =	sst s7  }
0x10: {  	[smem:$0x3FB4] =	sst s8  }
0x11: {  	[smem:$0x3FB5] =	sst s9;
	s0 =	simm.s32 @!p0 $0x0  }
0x12: {  	s1 =	sld [smem:$0x3F9B];
	s0 =	simm.s32 @p0 $0x1  }
0x13: {  	[smem:$0x3FB6] =	sst s0;
	s0 =	simm.s32 @!p1 $0x0  }
0x14: {  	s2 =	sld [smem:$0x3F9A];
	s0 =	simm.s32 @p1 $0x1  }
0x15: {  	[smem:$0x3FB7] =	sst s0;
	s0 =	simm.s32 @!p2 $0x0  }
0x16: {  	s3 =	sld [smem:$0x3FDB];
	s0 =	simm.s32 @p2 $0x1  }
0x17: {  	s4 =	simm.s32 $0x1BF5;
	[smem:$0x3FB9] =	sst s0  }
0x18: {  	s0 =	sld [smem:$0x3F9C];
	_ =	swait.ge [sflag:s4], $0x0  }
0x19: {  	s7 =	sld [smem:$0x3F9D]  }
0x1a: {  	s8 =	sadd.s32 $0xFFFFE003, lr  }
0x1b: {  	s9 =	sadd.s32 $0xFFFFFEF7, lr;
	s5 =	simm.s32 $0xFFFFFFFF;
	p2 =	slt.u32 s8, $0xFFFFF086  }
0x1c: {  	p1 =	slt.u32 s9, $0xF7A;
	s5 =	simm.s32 @!p2 $0x0  }
0x1d: {  	s5 =	simm.s32 @p1 $0x1;
	p0 =	seq.s32 s7, s2  }
0x1e: {  	s7 =	smul.u32 @!p0 $0xF7A, s2;
	p2 =	seq.s32 @!p0 s5, $0x0  }
0x1f: {  	s9 =	smul.u32 $0xF7A, s1;
	s8 =	simm.s32 @!p0 $0x1BF5;
	p2 =	por !p2, p0  }
0x20: {  	[sflag:s8] =	ssyncset.s32 @!p0 $0xFFFFF086;
	s6 =	sadd.s32 @!p0 s3, s7;
	s7 =	simm.s32 @!p0 $0x108  }
0x21: {  	s3 =	sadd.s32 s3, s9;
	s6 =	sadd.s32 @!p0 $0x88, s6;
	s7 =	simm.s32 @p2 $0x1082  }
0x22: {  	[simem:s7], [sflag:s8] =	dma.local @!p0 [hbm:s6], $0xF7A  }
0x23: {  	s9 =	sor.u32 $0xD0000000, s2;
	s6 =	simm.s32 $0x108;
	_ =	swait.ge @!p0 [sflag:s8], $0x0  }
0x24: {  	s3 =	sadd.s32 $0x88, s3;
	s6 =	simm.s32 @!p1 $0x1082;
	[sflag:s4] =	ssyncset.s32 $0xFFFFF086  }
0x25: {  	[simem:s6], [sflag:s4] =	dma.local [hbm:s3], $0xF7A  }
0x26: {  	[smem:$0x3F9D] =	sst s1;
	(tag) =	ssettag s2;
	_ =	strace s9  }
0x27: {  	s1 =	sld [smem:$0x3FAD]  }
0x28: {  	s2 =	sld [smem:$0x3FAE]  }
0x29: {  	s4 =	sld [smem:$0x3FB0]  }
0x2a: {  	p0 =	seq.s32 s5, $0x0;
	s5 =	sld [smem:$0x3FB1]  }
0x2b: {  	s6 =	sld [smem:$0x3FB2]  }
0x2c: {  	s7 =	sld [smem:$0x3FB3]  }
0x2d: {  	s3 =	simm.s32 $0x108;
	s8 =	sld [smem:$0x3FB4]  }
0x2e: {  	s3 =	simm.s32 @!p0 $0x1082;
	s9 =	sld [smem:$0x3FB5]  }
0x2f: {  	lr =	sadd.s32 s0, s3;
	s0 =	sld [smem:$0x3FAC]  }
0x30: {  	s3 =	sld [smem:$0x3FAF]  }
0x31: {  	[smem:$0x3FB8] =	sst s10  }
0x32: {  	s10 =	sld [smem:$0x3FB6];
	_ =	sdelay $0x3  }
0x33: {  	p0 =	seq.s32 s10, $0x1;
	s10 =	sld [smem:$0x3FB8];
	_ =	sdelay $0x3  }
0x34: {  	[smem:$0x3FB8] =	sst s10  }
0x35: {  	s10 =	sld [smem:$0x3FB7];
	_ =	sdelay $0x3  }
0x36: {  	p1 =	seq.s32 s10, $0x1;
	s10 =	sld [smem:$0x3FB8];
	_ =	sdelay $0x3  }
0x37: {  	[smem:$0x3FB8] =	sst s10  }
0x38: {  	s10 =	sld [smem:$0x3FB9]  }
0x39: {  	_ = 	snop;
	(pc) =	sbr.ind lr, $3  }
0x3a: {  	_ = 	snop  }
0x3b: {  	_ = 	snop  }
0x3c: {  	p2 =	seq.s32 s10, $0x1;
	s10 =	sld [smem:$0x3FB8]  }
0x3d: {  	_ =	shalt  }
0x3e: {  	_ =	shalt  }
0x3f: {  	_ =	shalt  }
0x40: {  	_ =	shalt  }
0x41: {  	_ =	shalt  }
0x42: {  	_ =	shalt  }
0x43: {  	_ =	shalt  }
0x44: {  	_ =	shalt  }
0x45: {  	_ =	shalt  }
0x46: {  	_ =	shalt  }
0x47: {  	_ =	shalt  }
0x48: {  	_ =	shalt  }
0x49: {  	_ =	shalt  }
0x4a: {  	_ =	shalt  }
0x4b: {  	_ =	shalt  }
0x4c: {  	_ =	shalt  }
0x4d: {  	_ =	shalt  }
0x4e: {  	_ =	shalt  }
0x4f: {  	_ =	shalt  }
0x50: {  	_ =	shalt  }
0x51: {  	_ =	shalt  }
0x52: {  	_ =	shalt  }
0x53: {  	_ =	shalt  }
0x54: {  	_ =	shalt  }
0x55: {  	_ =	shalt  }
0x56: {  	_ =	shalt  }
0x57: {  	_ =	shalt  }
0x58: {  	_ =	shalt  }
0x59: {  	_ =	shalt  }
0x5a: {  	_ =	shalt  }
0x5b: {  	_ =	shalt  }
0x5c: {  	_ =	shalt  }
0x5d: {  	_ =	shalt  }
0x5e: {  	_ =	shalt  }
0x5f: {  	_ =	shalt  }
0x60: {  	_ =	shalt  }
0x61: {  	_ =	shalt  }
0x62: {  	_ =	shalt  }
0x63: {  	_ =	shalt  }
0x64: {  	_ =	shalt  }
0x65: {  	_ =	shalt  }
0x66: {  	_ =	shalt  }
0x67: {  	_ =	shalt  }
0x68: {  	_ =	shalt  }
0x69: {  	_ =	shalt  }
0x6a: {  	_ =	shalt  }
0x6b: {  	_ =	shalt  }
0x6c: {  	_ =	shalt  }
0x6d: {  	_ =	shalt  }
0x6e: {  	_ =	shalt  }
0x6f: {  	_ =	shalt  }
0x70: {  	_ =	shalt  }
0x71: {  	_ =	shalt  }
0x72: {  	_ =	shalt  }
0x73: {  	_ =	shalt  }
0x74: {  	_ =	shalt  }
0x75: {  	_ =	shalt  }
0x76: {  	_ =	shalt  }
0x77: {  	_ =	shalt  }
0x78: {  	_ =	shalt  }
0x79: {  	_ =	shalt  }
0x7a: {  	_ =	shalt  }
0x7b: {  	_ =	shalt  }
0x7c: {  	_ =	shalt  }
0x7d: {  	_ =	shalt  }
0x7e: {  	_ =	shalt  }
0x7f: {  	_ =	shalt  }
0x80: {  	_ =	shalt  }
0x81: {  	_ =	shalt  }
0x82: {  	_ =	shalt  }
0x83: {  	_ =	shalt  }
0x84: {  	_ =	shalt  }
0x85: {  	_ =	shalt  }
0x86: {  	_ =	shalt  }
0x87: {  	_ =	shalt  }
.Lfunc_end0:
.L_simem_size_0:
called_computation.1_lowered:
.L_overlay_start_0:
0x88: {  	s2 =	sld [smem:$0x3FD9]  }
0x89: {  	s3 =	sld [smem:$0x3FFE];
	_ =	sdelay $0x1  }
0x8a: {  	s1 =	srdreg.scid  }
0x8b: {  	s0 =	sand.u32 $0x1, s1  }
0x8c: {  	s17 =	sshll.u32 s0, $0xA;
	s2 =	sadd.s32 s3, s2  }
0x8d: {  	s2 =	sadd.s32 s2, s17  }
0x8e: {  	[smem:$0x3FC4] =	sst s2  }
0x8f: {  	_ = 	snop  }
0x90: {  	s2 =	sld [smem:$0x3FD0];
	(tm) =	ssettm $0x1  }
0x91: {  	s18 =	sld [smem:$0x3FFB];
	_ =	sdelay $0x3  }
0x92: {  	_ =	strace s18  }
0x93: {  	s3 =	sld [smem:$0x3FFC];
	_ =	sdelay $0x3  }
0x94: {  	_ =	strace s3  }
0x95: {  	s3 =	sld [smem:$0x3FFD];
	_ =	sdelay $0x3  }
0x96: {  	_ =	strace s3  }
0x97: {  	_ =	strace $0x8FFFFFFF  }
0x98: {  	s19 =	sld [smem:$0x3FDB];
	_ =	sdelay $0x1  }
0x99: {  	s4 =	simm.s32 $_scs_section_size  }
0x9a: {  	s5 =	simm.s32 $_size__tile_overlayer_lowered;
	s6 =	simm.s32 $_tile_overlayer_lowered  }
0x9b: {  	s22 =	simm.s32 $0x1BFF;
	s21 =	sshll.u32 s6, $0x1;
	s3 =	sadd.s32 s4, s19  }
0x9c: {  	s7 =	simm.s32 $0x0;
	s20 =	sshll.u32 s5, $0x1;
	s5 =	sadd.s32 s21, s3  }
0x9d: {  	[timem:s7], [sflag:s22] =	dma.local [hbm:s5], s20  }
0x9e: {  	_ =	swait.ge [sflag:s22], s20  }
0x9f: {  	s4 =	ssub.s32 $0x0, s20;
	[sflag:s22] =	ssyncset.done $0x0  }
0xa0: {  	[sflag:s22] =	ssyncadd.s32 s4;
	_ =	sdelay $0x1  }
0xa1: {  	s23 =	simm.s32 $0x1B8B  }
0xa2: {  	_ =	swait.ge [sflag:s23], $0x1  }
0xa3: {  	[sflag:s23] =	ssyncset.done $0x0  }
0xa4: {  	s25 =	simm.s32 $0x1B8E;
	s24 =	sld [smem:$0x3FFE];
	[sflag:s23] =	ssyncadd.s32 $0xFFFFFFFF  }
0xa5: {  	s26 =	simm.s32 $execute0_lowered;
	[smem:$0x3FD2] =	sst s25  }
0xa6: {  	s5 =	sshll.u32 s26, $0x1;
	_ =	strace $0x80000049;
	[dreg:$0x1] =	wrdreg $0xFFFFFFFF  }
0xa7: {  	s28 =	simm.s32 $_size_execute0_lowered;
	s3 =	sadd.s32 s3, s5;
	[dreg:$0x0] =	wrdreg $0x0  }
0xa8: {  	s5 =	sshll.u32 s28, $0x1;
	[dreg:$0x2] =	wrdreg s3  }
0xa9: {  	[dreg:$0x3] =	wrdreg s5  }
0xaa: {  	[dreg:$0x4] =	wrdreg $0xC0  }
0xab: {  	_ =	task [dreg:s7], $0x5FFFF  }
0xac: {  	[dreg:$0x1] =	wrdreg $0xFFFFFFFF  }
0xad: {  	[dreg:$0x0] =	wrdreg $0x60  }
0xae: {  	[dreg:$0x2] =	wrdreg s24  }
0xaf: {  	[dreg:$0x3] =	wrdreg s2  }
0xb0: {  	[dreg:$0x4] =	wrdreg $0x84000  }
0xb1: {  	[dreg:$0x5] =	wrdreg $0x9  }
0xb2: {  	_ =	task.clear_ibuf [dreg:s7], $0x6FFFF;
	_ =	strace $0x90000049  }
0xb3: {  	s29 =	simm.s32 $0x9;
	_ =	strace $0x8000004B  }
0xb4: {  	_ =	swait.ge [sflag:s29], $0x1  }
0xb5: {  	[sflag:s29] =	ssyncadd.s32 $0xFFFFFFFF  }
0xb6: {  	_ =	strace $0x9000004B  }
0xb7: {  	_ =	sfence  }
0xb8: {  	s30 =	sld [smem:$0x0];
	_ =	sdelay $0x2  }
0xb9: {  	s31 =	sshll.u32 s1, $0xD;
	s1 =	sshrl.u32 s1, $0x2  }
0xba: {  	s3 =	sand.u32 $0x4000, s31;
	s1 =	sadd.s32 s1, s30  }
0xbb: {  	s0 =	sor.u32 s3, s0;
	s1 =	sshll.u32 s1, $0x11  }
0xbc: {  	s0 =	sor.u32 s1, s0  }
0xbd: {  	s0 =	sadd.s32 $0x8F2B, s0  }
0xbe: {  	[sflag:s0] =	ssyncadd.remote.s32 $0x1  }
0xbf: {  	_ =	sfence.sel $0xFFFF  }
0xc0: {  	[dreg:$0x0] =	wrdreg $0xFFFFFFFF;
	(pc) =	sbr.abs _section_cstart, $3  }
0xc1: {  	[dreg:$0x1] =	wrdreg $0xFFFFFFFF  }
0xc2: {  	_ =	task.clear_ibuf [dreg:s7], $0x2FFFF;
	_ =	strace $0x9FFFFFFF  }
0xc3: {  	(tm) =	ssettm $0x7FFFFFFF  }
tec
execute0_lowered:
.L_overlay_start_1:
0x0: {  	(tag) =	ssettag $0x1  }
0x1: {  	s1 =	rddreg [dreg:$0x0]  }
0x2: {  	s0 =	rddreg [dreg:$0x1]  }
0x3: {  	s2 =	rddreg [dreg:$0x2]  }
0x4: {  	s13 =	stileid.u32;
	s4 =	srdreg.scid  }
0x5: {  	s3 =	simm.s32 $0x0;
	s10 =	simm.s32 $0x4E00;
	s29 =	simm.s32 $0x300  }
0x6: {  	s31 =	simm.s32 $0x4400;
	s5 =	smul.u32 $0x14000, s13;
	s6 =	sand.u32 $0x1, s4  }
0x7: {  	[smem:$0x7FF] =	sst s3;
	s4 =	sadd.s32 $0x29800, s1;
	s20 =	smul.u32 $0x50000, s13  }
0x8: {  	s9 =	sadd.s32 $0x7A000, s1;
	s22 =	sshll.u32 s13, $0x6;
	s7 =	smul.u32 $0x140000, s6  }
0x9: {  	_ =	strace $0x8000004A;
	p0 =	seq.s32 s6, $0x0;
	s11 =	ssub.s32 $0x2, s6  }
0xa: {  	s6 =	smul.u32 $0x4E000, s6;
	s8 =	sshrl.u32 s5, $0x3;
	s10 =	simm.s32 @!p0 $0x200  }
0xb: {  	s12 =	sshrl.u32 s11, $0x1;
	s8 =	sadd.s32 s8, s1;
	s5 =	sadd.s32 s5, s7  }
0xc: {  	s10 =	smul.u32 s13, s10;
	s7 =	sshrl.u32 s20, $0x2;
	s5 =	sshrl.u32 s5, $0x3  }
0xd: {  	s7 =	sadd.s32 s7, s2;
	s21 =	sadd.s32 $0x1800, s8;
	s8 =	simm.s32 $0x4E  }
0xe: {  	s1 =	sadd.s32 s5, s1;
	s5 =	ssub.s32 s11, s12;
	[dreg:$0xe] =	wrdreg s7  }
0xf: {  	[dreg:$0xf] =	wrdreg s21;
	s6 =	sadd.s32 s6, s10;
	s7 =	sor.u32 $0x1C11, s22  }
0x10: {  	s8 =	simm.s32 @!p0 $0x2;
	s12 =	simm.s32 $0xF;
	s10 =	sshrl.u32 s6, $0x3  }
0x11: {  	s14 =	sor.u32 $0x1C0, s6;
	s16 =	sadd.s32 $0xFFFFFFFF, s8;
	s18 =	sor.u32 $0x180, s6  }
0x12: {  	s21 =	sor.u32 $0x140, s6;
	s6 =	sor.u32 $0x100, s6;
	s1 =	sadd.s32 $0x84000, s1  }
0x13: {  	s23 =	sadd.s32 s9, s10;
	s24 =	sadd.s32 s0, s10;
	[dreg:$0x4] =	wrdreg s16  }
0x14: {  	s25 =	sor.u32 $0x8, s10;
	s26 =	sor.u32 $0x10, s10;
	[dreg:$0x18] =	wrdreg s1  }
0x15: {  	s10 =	sor.u32 $0x18, s10;
	s19 =	sshrl.u32 s18, $0x3;
	[dreg:$0x10] =	wrdreg s23  }
0x16: {  	s6 =	sshrl.u32 s6, $0x3;
	[dreg:$0x11] =	wrdreg s24;
	s28 =	sadd.s32 s9, s25  }
0x17: {  	s18 =	simm.s32 $0x11;
	s11 =	sadd.s32 s0, s25;
	[dreg:$0x12] =	wrdreg s28  }
0x18: {  	s1 =	simm.s32 $0x380;
	s30 =	sadd.s32 s9, s26;
	[dreg:$0x13] =	wrdreg s11  }
0x19: {  	s13 =	sadd.s32 s0, s26;
	s15 =	sadd.s32 s9, s10;
	[dreg:$0x14] =	wrdreg s30  }
0x1a: {  	s20 =	sadd.s32 s19, s0;
	s22 =	sadd.s32 s19, s9;
	[dreg:$0x15] =	wrdreg s13  }
0x1b: {  	s23 =	sshrl.u32 s21, $0x3;
	s10 =	sadd.s32 s0, s10;
	[dreg:$0x16] =	wrdreg s15  }
0x1c: {  	s26 =	sadd.s32 s6, s9;
	s21 =	simm.s32 $0x40;
	[dreg:$0x7] =	wrdreg s20  }
0x1d: {  	s19 =	simm.s32 $0x4;
	s11 =	sshrl.u32 s14, $0x3;
	[dreg:$0x8] =	wrdreg s22  }
0x1e: {  	s24 =	sadd.s32 s23, s0;
	s25 =	sadd.s32 s23, s9;
	[dreg:$0x17] =	wrdreg s10  }
0x1f: {  	s28 =	smax.u32 s5, $0x1;
	[dreg:$0xc] =	wrdreg s26;
	s30 =	sshll.u32 s8, $0x5  }
0x20: {  	s26 =	simm.s32 $0x2400;
	s22 =	simm.s32 $0x6400;
	[dreg:$0x9] =	wrdreg s24  }
0x21: {  	s5 =	simm.s32 $0x9;
	s8 =	simm.s32 $0x7;
	[dreg:$0xa] =	wrdreg s25  }
0x22: {  	s10 =	simm.s32 $0xD;
	s13 =	simm.s32 $0x10;
	[dreg:$0x19] =	wrdreg s28  }
0x23: {  	s14 =	simm.s32 $0x0;
	s17 =	sadd.s32 s11, s0;
	[dreg:$0xd] =	wrdreg s30  }
0x24: {  	s11 =	sadd.s32 s11, s9;
	s0 =	sadd.s32 s6, s0;
	[dreg:$0x5] =	wrdreg s17  }
0x25: {  	s24 =	simm.s32 $0x280;
	s6 =	simm.s32 $0x6;
	[dreg:$0x6] =	wrdreg s11  }
0x26: {  	s9 =	simm.s32 $0x8;
	[dreg:$0xb] =	wrdreg s0;
	s11 =	simm.s32 $0xE  }
.LBB2_1:
0x27: {  	s0 =	rddreg [dreg:$0xe]  }
0x28: {  	s25 =	rddreg [dreg:$0xf];
	s15 =	sshrl.u32 s0, $0x3  }
0x29: {  	[spmem:s15], [sflag:s7] =	dma.local [hbm:s25], $0x2800  }
0x2a: {  	_ =	swait.ge [sflag:s18], $0x2800  }
0x2b: {  	[sflag:s18] =	ssyncset.done $0x0  }
0x2c: {  	[sflag:s18] =	ssyncadd.s32 $0xFFFFD800  }
0x2d: {  	[bflag:$0x0] =	sbarrier.arrive $0xFFFF  }
0x2e: {  	s28 =	rddreg [dreg:$0x10]  }
0x2f: {  	[tilespmem:s3], [sflag:$0x1] =	stream.linear.gather [hbm4b:s28+s3], $0x40, $0x38;
	[tilespmem:$0x1C400] =	vst v63  }
0x30: {  	s16 =	simm.s32 $0x200;
	s17 =	simm.s32 $0x1;
	s30 =	rddreg [dreg:$0x11]  }
0x31: {  	[tilespmem:s16], [sflag:$0x5] =	stream.linear.gather [hbm4b:s30+s3], $0x40, $0x38;
	[tilespmem:$0x1C400] =	vst v63  }
0x32: {  	_ =	swait.ge [sflag:s17], $0x40  }
0x33: {  	[sflag:s17] =	ssyncset.done $0x0  }
0x34: {  	s20 =	simm.s32 $0x400;
	[sflag:s17] =	ssyncadd.s32 $0xFFFFFFC0  }
0x35: {  	[tilespmem:s20], [sflag:$0x9] =	stream.indirect.gather [hbm4b:s4+s21], $0x80, s3, s21, $0xb8;
	[tilespmem:$0x1C400] =	vst v63  }
0x36: {  	s25 =	simm.s32 $0x80;
	s23 =	rddreg [dreg:$0x12]  }
0x37: {  	[tilespmem:s25], [sflag:$0x2] =	stream.linear.gather [hbm4b:s23+s3], $0x40, $0x38;
	[tilespmem:$0x1C400] =	vst v63  }
0x38: {  	s30 =	simm.s32 $0x2;
	s28 =	rddreg [dreg:$0x13]  }
0x39: {  	[tilespmem:s24], [sflag:$0x6] =	stream.linear.gather [hbm4b:s28+s3], $0x40, $0x38;
	[tilespmem:$0x1C400] =	vst v63  }
0x3a: {  	_ =	swait.ge [sflag:s30], $0x40  }
0x3b: {  	[sflag:s30] =	ssyncset.done $0x0  }
0x3c: {  	[sflag:s30] =	ssyncadd.s32 $0xFFFFFFC0  }
0x3d: {  	[tilespmem:s26], [sflag:$0xA] =	stream.indirect.gather [hbm4b:s4+s21], $0x80, s25, s21, $0xb8;
	[tilespmem:$0x1C400] =	vst v63  }
0x3e: {  	s17 =	simm.s32 $0x100;
	s16 =	rddreg [dreg:$0x14]  }
0x3f: {  	[tilespmem:s17], [sflag:$0x3] =	stream.linear.gather [hbm4b:s16+s3], $0x40, $0x38;
	[tilespmem:$0x1C400] =	vst v63  }
0x40: {  	s23 =	simm.s32 $0x3;
	s20 =	rddreg [dreg:$0x15]  }
0x41: {  	[tilespmem:s29], [sflag:$0x7] =	stream.linear.gather [hbm4b:s20+s3], $0x40, $0x38;
	[tilespmem:$0x1C400] =	vst v63  }
0x42: {  	_ =	swait.ge [sflag:s23], $0x40  }
0x43: {  	[sflag:s23] =	ssyncset.done $0x0  }
0x44: {  	[sflag:s23] =	ssyncadd.s32 $0xFFFFFFC0  }
0x45: {  	[tilespmem:s31], [sflag:$0xB] =	stream.indirect.gather [hbm4b:s4+s21], $0x80, s17, s21, $0xb8;
	[tilespmem:$0x1C400] =	vst v63  }
0x46: {  	s28 =	simm.s32 $0x180;
	s25 =	rddreg [dreg:$0x16]  }
0x47: {  	[tilespmem:s28], [sflag:$0x4] =	stream.linear.gather [hbm4b:s25+s3], $0x40, $0x38;
	[tilespmem:$0x1C400] =	vst v63  }
0x48: {  	s30 =	rddreg [dreg:$0x17]  }
0x49: {  	[tilespmem:s1], [sflag:$0x8] =	stream.linear.gather [hbm4b:s30+s3], $0x40, $0x38;
	[tilespmem:$0x1C400] =	vst v63  }
0x4a: {  	_ =	swait.ge [sflag:s19], $0x40  }
0x4b: {  	[sflag:s19] =	ssyncset.done $0x0  }
0x4c: {  	s16 =	simm.s32 $0x0;
	s17 =	simm.s32 $0x0;
	[sflag:s19] =	ssyncadd.s32 $0xFFFFFFC0  }
0x4d: {  	[tilespmem:s22], [sflag:$0xC] =	stream.indirect.gather [hbm4b:s4+s21], $0x80, s28, s21, $0xb8;
	[tilespmem:$0x1C400] =	vst v63  }
.LBB2_2:
0x4e: {  	_ =	swait.ge [sflag:s5], $0x2000  }
0x4f: {  	s23 =	rddreg [dreg:$0x4]  }
0x50: {  	[sflag:s5] =	ssyncset.done $0x0;
	p0 =	sge.u32 s17, s23  }
0x51: {  	[sflag:s5] =	ssyncadd.s32 $0xFFFFE000;
	s23 =	simm.s32 @p0 $0x5  }
0x52: {  	_ =	swait.ge @p0 [sflag:s23], $0x40  }
0x53: {  	s28 =	simm.s32 @p0 $0x200;
	[sflag:s23] =	ssyncset.done @p0 $0x0  }
0x54: {  	s0 =	simm.s32 @p0 $0x400;
	[sflag:s23] =	ssyncadd.s32 @p0 $0xFFFFFFC0;
	s23 =	simm.s32 @p0 $0x40  }
0x55: {  	[spmem:s2] =	stream.indirect.scatter.add.f32 @p0 [tilespmem:s0], [sflag:$0xD], $0x80, s28, s23, $0xb8;
	[tilespmem:$0x1C400] =	vst v63  }
0x56: {  	s0 =	simm.s32 @p0 $0xA  }
0x57: {  	_ =	swait.ge @p0 [sflag:s0], $0x2000  }
0x58: {  	s23 =	rddreg [dreg:$0xc];
	[sflag:s0] =	ssyncset.done @p0 $0x0  }
0x59: {  	s28 =	simm.s32 @!p0 $0x0;
	[sflag:s0] =	ssyncadd.s32 @p0 $0xFFFFE000;
	s0 =	sadd.s32 @!p0 s16, s23  }
0x5a: {  	[tilespmem:s28], [sflag:$0x1] =	stream.linear.gather @!p0 [hbm4b:s0+s28], $0x40, $0x38;
	[tilespmem:$0x1C400] =	vst v63  }
0x5b: {  	s0 =	simm.s32 @!p0 $0x5  }
0x5c: {  	_ =	swait.ge @!p0 [sflag:s0], $0x40  }
0x5d: {  	s20 =	simm.s32 @!p0 $0x400;
	s25 =	simm.s32 @!p0 $0xD;
	[sflag:s0] =	ssyncset.done @!p0 $0x0  }
0x5e: {  	s23 =	simm.s32 @!p0 $0x40;
	[sflag:s0] =	ssyncadd.s32 @!p0 $0xFFFFFFC0;
	s0 =	simm.s32 @!p0 $0x200  }
0x5f: {  	[spmem:s2] =	stream.indirect.scatter.add.f32 @!p0 [tilespmem:s20], [sflag:$0xD], $0x80, s0, s23, $0xb8;
	[tilespmem:$0x1C400] =	vst v63  }
0x60: {  	_ =	swait.ge @!p0 [sflag:s25], $0x2000  }
0x61: {  	s30 =	rddreg [dreg:$0xb];
	[sflag:s25] =	ssyncset.done @!p0 $0x0  }
0x62: {  	[sflag:s25] =	ssyncadd.s32 @!p0 $0xFFFFE000;
	s25 =	sadd.s32 @!p0 s16, s30  }
0x63: {  	[tilespmem:s0], [sflag:$0x5] =	stream.linear.gather @!p0 [hbm4b:s25+s28], $0x40, $0x38;
	[tilespmem:$0x1C400] =	vst v63  }
0x64: {  	s0 =	simm.s32 @!p0 $0x1  }
0x65: {  	_ =	swait.ge @!p0 [sflag:s0], $0x40  }
0x66: {  	[sflag:s0] =	ssyncset.done @!p0 $0x0  }
0x67: {  	[sflag:s0] =	ssyncadd.s32 @!p0 $0xFFFFFFC0;
	s0 =	simm.s32 @!p0 $0xA  }
0x68: {  	[tilespmem:s20], [sflag:$0x9] =	stream.indirect.gather @!p0 [hbm4b:s4+s23], $0x80, s28, s23, $0xb8;
	[tilespmem:$0x1C400] =	vst v63  }
0x69: {  	_ =	swait.ge @!p0 [sflag:s0], $0x2000  }
0x6a: {  	s20 =	rddreg [dreg:$0xa];
	[sflag:s0] =	ssyncset.done @!p0 $0x0  }
0x6b: {  	[sflag:s0] =	ssyncadd.s32 @!p0 $0xFFFFE000;
	s0 =	sadd.s32 @!p0 s16, s20;
	s20 =	simm.s32 @!p0 $0x80  }
0x6c: {  	[tilespmem:s20], [sflag:$0x2] =	stream.linear.gather @!p0 [hbm4b:s0+s28], $0x40, $0x38;
	[tilespmem:$0x1C400] =	vst v63  }
0x6d: {  	_ =	swait.ge [sflag:s6], $0x40  }
0x6e: {  	[sflag:s6] =	ssyncset.done $0x0  }
0x6f: {  	s0 =	simm.s32 @p0 $0xB;
	[sflag:s6] =	ssyncadd.s32 $0xFFFFFFC0  }
0x70: {  	[spmem:s2] =	stream.indirect.scatter.add.f32 [tilespmem:s26], [sflag:$0xE], $0x80, s24, s21, $0xb8;
	[tilespmem:$0x1C400] =	vst v63  }
0x71: {  	_ =	swait.ge @p0 [sflag:s0], $0x2000  }
0x72: {  	[sflag:s0] =	ssyncset.done @p0 $0x0  }
0x73: {  	[sflag:s0] =	ssyncadd.s32 @p0 $0xFFFFE000;
	s0 =	simm.s32 @!p0 $0xE  }
0x74: {  	_ =	swait.ge @!p0 [sflag:s0], $0x2000  }
0x75: {  	s25 =	rddreg [dreg:$0x9];
	[sflag:s0] =	ssyncset.done @!p0 $0x0  }
0x76: {  	[sflag:s0] =	ssyncadd.s32 @!p0 $0xFFFFE000;
	s0 =	sadd.s32 @!p0 s16, s25;
	s25 =	simm.s32 @!p0 $0x280  }
0x77: {  	[tilespmem:s25], [sflag:$0x6] =	stream.linear.gather @!p0 [hbm4b:s0+s28], $0x40, $0x38;
	[tilespmem:$0x1C400] =	vst v63  }
0x78: {  	s0 =	simm.s32 @!p0 $0x2  }
0x79: {  	_ =	swait.ge @!p0 [sflag:s0], $0x40  }
0x7a: {  	[sflag:s0] =	ssyncset.done @!p0 $0x0  }
0x7b: {  	[sflag:s0] =	ssyncadd.s32 @!p0 $0xFFFFFFC0;
	s0 =	simm.s32 @!p0 $0x2400  }
0x7c: {  	[tilespmem:s0], [sflag:$0xA] =	stream.indirect.gather @!p0 [hbm4b:s4+s23], $0x80, s20, s23, $0xb8;
	[tilespmem:$0x1C400] =	vst v63  }
0x7d: {  	s0 =	simm.s32 @!p0 $0xB  }
0x7e: {  	_ =	swait.ge @!p0 [sflag:s0], $0x2000  }
0x7f: {  	s20 =	rddreg [dreg:$0x8];
	[sflag:s0] =	ssyncset.done @!p0 $0x0  }
0x80: {  	[sflag:s0] =	ssyncadd.s32 @!p0 $0xFFFFE000;
	s0 =	sadd.s32 @!p0 s16, s20;
	s20 =	simm.s32 @!p0 $0x100  }
0x81: {  	[tilespmem:s20], [sflag:$0x3] =	stream.linear.gather @!p0 [hbm4b:s0+s28], $0x40, $0x38;
	[tilespmem:$0x1C400] =	vst v63  }
0x82: {  	_ =	swait.ge [sflag:s8], $0x40  }
0x83: {  	[sflag:s8] =	ssyncset.done $0x0  }
0x84: {  	s0 =	simm.s32 @p0 $0xC;
	[sflag:s8] =	ssyncadd.s32 $0xFFFFFFC0  }
0x85: {  	[spmem:s2] =	stream.indirect.scatter.add.f32 [tilespmem:s31], [sflag:$0xF], $0x80, s29, s21, $0xb8;
	[tilespmem:$0x1C400] =	vst v63  }
0x86: {  	_ =	swait.ge @p0 [sflag:s0], $0x2000  }
0x87: {  	[sflag:s0] =	ssyncset.done @p0 $0x0  }
0x88: {  	[sflag:s0] =	ssyncadd.s32 @p0 $0xFFFFE000;
	s0 =	simm.s32 @!p0 $0xF  }
0x89: {  	_ =	swait.ge @!p0 [sflag:s0], $0x2000  }
0x8a: {  	s25 =	rddreg [dreg:$0x7];
	[sflag:s0] =	ssyncset.done @!p0 $0x0  }
0x8b: {  	[sflag:s0] =	ssyncadd.s32 @!p0 $0xFFFFE000;
	s0 =	sadd.s32 @!p0 s16, s25;
	s25 =	simm.s32 @!p0 $0x300  }
0x8c: {  	[tilespmem:s25], [sflag:$0x7] =	stream.linear.gather @!p0 [hbm4b:s0+s28], $0x40, $0x38;
	[tilespmem:$0x1C400] =	vst v63  }
0x8d: {  	s0 =	simm.s32 @!p0 $0x3  }
0x8e: {  	_ =	swait.ge @!p0 [sflag:s0], $0x40  }
0x8f: {  	[sflag:s0] =	ssyncset.done @!p0 $0x0  }
0x90: {  	[sflag:s0] =	ssyncadd.s32 @!p0 $0xFFFFFFC0;
	s0 =	simm.s32 @!p0 $0x4400  }
0x91: {  	[tilespmem:s0], [sflag:$0xB] =	stream.indirect.gather @!p0 [hbm4b:s4+s23], $0x80, s20, s23, $0xb8;
	[tilespmem:$0x1C400] =	vst v63  }
0x92: {  	s0 =	simm.s32 @!p0 $0xC  }
0x93: {  	_ =	swait.ge @!p0 [sflag:s0], $0x2000  }
0x94: {  	s20 =	rddreg [dreg:$0x6];
	[sflag:s0] =	ssyncset.done @!p0 $0x0  }
0x95: {  	[sflag:s0] =	ssyncadd.s32 @!p0 $0xFFFFE000;
	s0 =	sadd.s32 @!p0 s16, s20;
	s20 =	simm.s32 @!p0 $0x180  }
0x96: {  	[tilespmem:s20], [sflag:$0x4] =	stream.linear.gather @!p0 [hbm4b:s0+s28], $0x40, $0x38;
	[tilespmem:$0x1C400] =	vst v63  }
0x97: {  	_ =	swait.ge [sflag:s9], $0x40  }
0x98: {  	[sflag:s9] =	ssyncset.done $0x0  }
0x99: {  	s0 =	simm.s32 @!p0 $0x10;
	[sflag:s9] =	ssyncadd.s32 $0xFFFFFFC0  }
0x9a: {  	[spmem:s2] =	stream.indirect.scatter.add.f32 [tilespmem:s22], [sflag:$0x10], $0x80, s1, s21, $0xb8;
	[tilespmem:$0x1C400] =	vst v63  }
0x9b: {  	_ =	swait.ge @!p0 [sflag:s0], $0x2000  }
0x9c: {  	s25 =	rddreg [dreg:$0x5];
	[sflag:s0] =	ssyncset.done @!p0 $0x0  }
0x9d: {  	[sflag:s0] =	ssyncadd.s32 @!p0 $0xFFFFE000;
	s0 =	sadd.s32 @!p0 s16, s25;
	s25 =	simm.s32 @!p0 $0x380  }
0x9e: {  	[tilespmem:s25], [sflag:$0x8] =	stream.linear.gather @!p0 [hbm4b:s0+s28], $0x40, $0x38;
	[tilespmem:$0x1C400] =	vst v63  }
0x9f: {  	s0 =	simm.s32 @!p0 $0x4  }
0xa0: {  	_ =	swait.ge @!p0 [sflag:s0], $0x40  }
0xa1: {  	s16 =	sadd.s32 $0x20, s16;
	[sflag:s0] =	ssyncset.done @!p0 $0x0  }
0xa2: {  	s30 =	rddreg [dreg:$0xd];
	[sflag:s0] =	ssyncadd.s32 @!p0 $0xFFFFFFC0;
	s0 =	simm.s32 @!p0 $0x6400  }
0xa3: {  	[tilespmem:s0], [sflag:$0xC] =	stream.indirect.gather @!p0 [hbm4b:s4+s23], $0x80, s20, s23, $0xb8;
	[tilespmem:$0x1C400] =	vst v63  }
0xa4: {  	p0 =	sne.s32 s30, s16  }
.Ltmp0:
0xa5: {  	_ = 	snop;
	(pc) =	sbr.rel @p0 .LBB2_2-.Ltmp0, $2  }
0xa6: {  	_ =	sdelay $0x2  }
0xa7: {  	s17 =	sadd.s32 $0x1, s17  }
0xa8: {  	_ =	swait.ge [sflag:s10], $0x2000  }
0xa9: {  	[sflag:s10] =	ssyncset.done $0x0  }
0xaa: {  	[sflag:s10] =	ssyncadd.s32 $0xFFFFE000  }
0xab: {  	_ =	swait.ge [sflag:s11], $0x2000  }
0xac: {  	[sflag:s11] =	ssyncset.done $0x0  }
0xad: {  	[sflag:s11] =	ssyncadd.s32 $0xFFFFE000  }
0xae: {  	_ =	swait.ge [sflag:s12], $0x2000  }
0xaf: {  	[sflag:s12] =	ssyncset.done $0x0  }
0xb0: {  	[sflag:s12] =	ssyncadd.s32 $0xFFFFE000  }
0xb1: {  	_ =	swait.ge [sflag:s13], $0x2000  }
0xb2: {  	[sflag:s13] =	ssyncset.done $0x0  }
0xb3: {  	[sflag:s13] =	ssyncadd.s32 $0xFFFFE000  }
0xb4: {  	[bflag:$0x0] =	sbarrier.arrive $0xFFFF  }
0xb5: {  	s0 =	rddreg [dreg:$0x18]  }
0xb6: {  	[hbm:s0], [sflag:s7] =	dma.local [spmem:s15], $0x2800  }
0xb7: {  	_ =	swait.ge [sflag:s18], $0x2800  }
0xb8: {  	s14 =	sadd.s32 $0x1, s14;
	s30 =	rddreg [dreg:$0x19]  }
0xb9: {  	p0 =	sne.s32 s14, s30  }
.Ltmp1:
0xba: {  	_ = 	snop;
	(pc) =	sbr.rel @p0 .LBB2_1-.Ltmp1, $3  }
0xbb: {  	_ =	sdelay $0x1  }
0xbc: {  	[sflag:s18] =	ssyncset.done $0x0  }
0xbd: {  	[sflag:s18] =	ssyncadd.s32 $0xFFFFD800  }
0xbe: {  	_ =	sfence.sel $0x180000  }
0xbf: {  	[bflag:$0x0] =	sbarrier.arrive $0xFFFF  }
0xc0: {  	_ =	strace $0x9000004A  }
0xc1: {  	s0 =	stileid.u32;
	[bflag:$0x2] =	sbarrier.arrive $0xFFFF  }
0xc2: {  	p0 =	sne.s32 s0, $0x0;
	s0 =	rddreg [dreg:$0x3]  }
0xc3: {  	s0 =	sadd.s32 @!p0 $0x100000, s0  }
0xc4: {  	[sflag:s0] =	ssyncadd.tile.s32 @!p0 $0x1;
	_ =	shalt  }
.Lfunc_end2:
_tile_overlayer_lowered:
.L_overlay_start_2:
0xc5: {  	(tag) =	ssettag $0x2  }
0xc6: {  	s0 =	rddreg [dreg:$0x0];
	s2 =	stileid.u32  }
0xc7: {  	s1 =	rddreg [dreg:$0x1];
	p0 =	sne.s32 s2, $0x0  }
0xc8: {  	s3 =	rddreg [dreg:$0x2];
	[bflag:$0x3] =	sbarrier.arrive $0xFFFF;
	s2 =	simm.s32 @!p0 $0x1C11  }
0xc9: {  	[timem:s3], [sflag:s2] =	dma.local @!p0 [hbm:s0], s1  }
0xca: {  	s0 =	simm.s32 @!p0 $0x11  }
0xcb: {  	_ =	swait.ge @!p0 [sflag:s0], s1  }
0xcc: {  	s1 =	ssub.s32 @!p0 $0x0, s1;
	[sflag:s0] =	ssyncset.done @!p0 $0x0  }
0xcd: {  	[sflag:s0] =	ssyncadd.s32 @!p0 s1  }
0xce: {  	[bflag:$0x3] =	sbarrier.arrive $0xFFFF  }
0xcf: {  	_ =	shalt  }

</sc_bundles>
